<compile_context>
chip_gen: v7x
topology: tpu7x:2x2x1
jax: 0.10.2.dev20260603
libtpu: 0.0.44.dev20260713+nightly
codegen_flags: <defaults>
</compile_context>

<pallas_src>
import functools

import jax
import jax.numpy as jnp
from jax import lax
from jax.experimental import pallas as pl
from jax.experimental.pallas import tpu as pltpu
from jax.experimental.pallas import tpu_sc as plsc

_NUM_CODES = 1024
_CODE_DIM = 64
_COMMITMENT = 0.25
_TT = 1024


def _dist_argmin_body(xt_ref, emb_ref, idx_ref, acc_ref, *, loss_scale):
    xt = xt_ref[...]
    emb = emb_ref[...]
    prod = lax.dot_general(
        emb, xt, (((1,), (0,)), ((), ())),
        preferred_element_type=jnp.float32,
        precision=lax.Precision.DEFAULT,
    )
    x2 = jnp.sum(xt * xt, axis=0, keepdims=True)
    e2 = jnp.sum(emb * emb, axis=1, keepdims=True)
    nch = 4
    ch = _NUM_CODES // nch
    ids_f = lax.broadcasted_iota(jnp.int32, (ch, _TT), 0).astype(jnp.float32)
    big = jnp.float32(2.0e9)
    run_m = None
    for c in range(nch):
        dc = (x2 - 2.0 * prod[c * ch:(c + 1) * ch, :]
              + e2[c * ch:(c + 1) * ch, :])
        mc = jnp.min(dc, axis=0, keepdims=True)
        loc = jnp.min(jnp.where(dc == mc, ids_f, big), axis=0, keepdims=True)
        if run_m is None:
            run_m, run_loc = mc, loc
            run_c = jnp.zeros((1, _TT), jnp.float32)
        else:
            upd = mc < run_m
            run_loc = jnp.where(upd, loc, run_loc)
            run_c = jnp.where(upd, jnp.float32(c), run_c)
            run_m = jnp.minimum(run_m, mc)
    m = run_m
    idx = (run_c * ch + run_loc).astype(jnp.int32)
    idx_ref[...] = idx.reshape(1, 1, _TT)

    @pl.when(pl.program_id(0) == 0)
    def _():
        acc_ref[...] = jnp.zeros((1, 1), jnp.float32)

    acc_ref[...] += (jnp.sum(m) * loss_scale).reshape(1, 1)


def _dist_argmin(xt2d, emb, loss_scale):
    n_slab = xt2d.shape[0] // _CODE_DIM
    body = functools.partial(_dist_argmin_body, loss_scale=loss_scale)
    return pl.pallas_call(
        body,
        grid=(n_slab,),
        in_specs=[
            pl.BlockSpec((_CODE_DIM, _TT), lambda i: (i, 0)),
            pl.BlockSpec((_NUM_CODES, _CODE_DIM), lambda i: (0, 0)),
        ],
        out_specs=[
            pl.BlockSpec((1, 1, _TT), lambda i: (i, 0, 0)),
            pl.BlockSpec((1, 1), lambda i: (0, 0)),
        ],
        out_shape=[
            jax.ShapeDtypeStruct((n_slab, 1, _TT), jnp.int32),
            jax.ShapeDtypeStruct((1, 1), jnp.float32),
        ],
    )(xt2d, emb)


def _make_sc_gather_t(n_tok, width):
    info = plsc.get_sparse_core_info()
    nc, ns, nl = info.num_cores, info.num_subcores, info.num_lanes
    nw = nc * ns
    b_per_w = n_tok // nw
    d_half = width // 2
    mesh = plsc.VectorSubcoreMesh(core_axis_name="c", subcore_axis_name="s")

    n_pass = 4
    d_pp = width // n_pass

    @functools.partial(
        pl.kernel,
        mesh=mesh,
        compiler_params=pltpu.CompilerParams(
            use_tc_tiling_on_sc=False, needs_layout_passes=False),
        out_type=jax.ShapeDtypeStruct((nw * width, b_per_w), jnp.float32),
        scratch_types=[
            pltpu.VMEM((width, _NUM_CODES), jnp.float32),
            pltpu.VMEM((b_per_w,), jnp.int32),
            pltpu.VMEM((d_pp, b_per_w), jnp.float32),
            pltpu.VMEM((d_pp, b_per_w), jnp.float32),
            pltpu.SemaphoreType.DMA,
            pltpu.SemaphoreType.DMA,
            pltpu.SemaphoreType.DMA,
        ],
    )
    def gather_k(tab_hbm, idx_hbm, out_hbm, tab_v, idx_v, o0, o1, si, s0, s1):
        wid = lax.axis_index("s") * nc + lax.axis_index("c")
        ht = pltpu.async_copy(tab_hbm, tab_v, si)
        hi = pltpu.async_copy(
            idx_hbm.at[pl.ds(wid * b_per_w, b_per_w)], idx_v, si)
        ht.wait()
        hi.wait()
        outs, sems = (o0, o1), (s0, s1)
        waits = [None] * n_pass
        for p in range(n_pass):
            if p >= 2:
                waits[p - 2].wait()
            out_v = outs[p % 2]
            rows = [jnp.full((nl,), p * d_pp + d, jnp.int32)
                    for d in range(d_pp)]

            def tok_body(t, _, out_v=out_v, rows=rows):
                iv = idx_v[pl.ds(t * nl, nl)]
                for d in range(d_pp):
                    out_v[d, pl.ds(t * nl, nl)] = plsc.load_gather(
                        tab_v, [rows[d], iv])
                return 0

            lax.fori_loop(0, b_per_w // nl, tok_body, 0, unroll=False)
            waits[p] = pltpu.async_copy(
                out_v, out_hbm.at[pl.ds(wid * width + p * d_pp, d_pp)],
                sems[p % 2])
        waits[n_pass - 2].wait()
        waits[n_pass - 1].wait()

    return gather_k


def kernel(z, embedding):
    n_tok = z.shape[0] * z.shape[1]
    scale = _COMMITMENT / (n_tok * _CODE_DIM)
    xt2d = jnp.transpose(z, (0, 2, 1)).reshape(-1, z.shape[1])
    idx3d, loss2d = _dist_argmin(xt2d, embedding, scale)
    indices = idx3d.reshape(n_tok)
    embt = jnp.transpose(embedding)
    zq_t = _make_sc_gather_t(n_tok, _CODE_DIM)(embt, indices)
    z_q = zq_t.reshape(z.shape[0], _CODE_DIM, z.shape[1]).transpose(0, 2, 1)
    return z_q, loss2d.reshape(()), indices

# --- scband reference (transcript-rebuilt; emitter-appended) ---
"""Pipeline reference for scband-vector-quantizer-ema-49838800502811 (READ-ONLY COPY).

The authoritative reference and input builder live on the scoring server;
editing this copy changes nothing except your own understanding.
"""

import jax, jax.numpy as jnp
import numpy as np

NUM_CODES = 1024
CODE_DIM = 64
COMMITMENT = 0.25


def setup_inputs(seed: int = 0) -> dict:
    key = jax.random.key(seed)
    k1, k2 = jax.random.split(key)
    z = jax.random.normal(k1, (32, 1024, CODE_DIM), dtype=jnp.float32)
    embedding = jax.random.normal(k2, (NUM_CODES, CODE_DIM), dtype=jnp.float32)
    return {"z": z, "embedding": embedding}


def reference(z, embedding):
    # flatten to [B*T, code_dim]
    flat = z.reshape(-1, CODE_DIM)
    # squared L2 distances to each code: ||x||^2 - 2 x.e + ||e||^2
    dist = (
        jnp.sum(flat ** 2, axis=1, keepdims=True)
        - 2.0 * flat @ embedding.T
        + jnp.sum(embedding ** 2, axis=1)
    )
    indices = jnp.argmin(dist, axis=1)
    z_q = jnp.take(embedding, indices, axis=0).reshape(z.shape)
    # commitment loss (codebook side detached, as in eval/inference path)
    loss = COMMITMENT * jnp.mean((jax.lax.stop_gradient(z_q) - z) ** 2)
    # straight-through estimator
    z_q_st = z + jax.lax.stop_gradient(z_q - z)
    return z_q_st, loss, indices

if __name__ == "__main__":
    import jax
    _d = setup_inputs()
    print(jax.jit(kernel)(*tuple(_d.values())))

</pallas_src>

<mosaic_0001>
#map = affine_map<(d0, d1) -> (0, 0)>
#map1 = affine_map<(d0, d1) -> (0)>
module attributes {stable_mosaic.version = 14 : i64} {
  func.func @gather_k(%arg0: i32, %arg1: i32, %arg2: memref<64x1024xf32, #tpu.memory_space<hbm>>, %arg3: memref<32768xi32, #tpu.memory_space<hbm>>, %arg4: memref<2048x1024xf32, #tpu.memory_space<hbm>>, %arg5: memref<64x1024xf32, #tpu.memory_space<vmem>>, %arg6: memref<1024xi32, #tpu.memory_space<vmem>>, %arg7: memref<16x1024xf32, #tpu.memory_space<vmem>>, %arg8: memref<16x1024xf32, #tpu.memory_space<vmem>>, %arg9: memref<!tpu.dma_semaphore, #tpu.memory_space<semaphore_mem>>, %arg10: memref<!tpu.dma_semaphore, #tpu.memory_space<semaphore_mem>>, %arg11: memref<!tpu.dma_semaphore, #tpu.memory_space<semaphore_mem>>) attributes {dimension_semantics = [#tpu.dimension_semantics<core_parallel>, #tpu.dimension_semantics<subcore_parallel>], iteration_bounds = array<i64: 2, 16>, scalar_prefetch = 0 : i64, scratch_operands = 7 : i64, tpu.core_type = #tpu.core_type<sc_vector_subcore>, window_params = [{transform_indices = #map}, {transform_indices = #map1}, {transform_indices = #map}]} {
    %mul3A = arith.constant 2 : i32
    %mul3A_0 = arith.muli %arg1, %mul3A : i32
    %add3A = arith.addi %mul3A_0, %arg0 : i32
    tpu.enqueue_dma source(%arg2 : memref<64x1024xf32, #tpu.memory_space<hbm>>) target(%arg5 : memref<64x1024xf32, #tpu.memory_space<vmem>>) target_semaphore(%arg9 : memref<!tpu.dma_semaphore, #tpu.memory_space<semaphore_mem>>)
    %mul3A_1 = arith.constant 1024 : i32
    %mul3A_2 = arith.muli %add3A, %mul3A_1 : i32
    %dma_start3A = tpu.memref_slice %arg3[%mul3A_2] : memref<32768xi32, #tpu.memory_space<hbm>> -> memref<1024xi32, #tpu.memory_space<hbm>>
    %dma_start3A_3 = tpu.memref_slice %arg3[%mul3A_2] : memref<32768xi32, #tpu.memory_space<hbm>> -> memref<1024xi32, #tpu.memory_space<hbm>>
    tpu.enqueue_dma source(%dma_start3A_3 : memref<1024xi32, #tpu.memory_space<hbm>>) target(%arg6 : memref<1024xi32, #tpu.memory_space<vmem>>) target_semaphore(%arg9 : memref<!tpu.dma_semaphore, #tpu.memory_space<semaphore_mem>>)
    tpu.wait_dma2 semaphore(%arg9 : memref<!tpu.dma_semaphore, #tpu.memory_space<semaphore_mem>>) src(%arg2 : memref<64x1024xf32, #tpu.memory_space<hbm>>) dst(%arg5 : memref<64x1024xf32, #tpu.memory_space<vmem>>)
    %dma_wait3A = tpu.memref_slice %arg3[%mul3A_2] : memref<32768xi32, #tpu.memory_space<hbm>> -> memref<1024xi32, #tpu.memory_space<hbm>>
    %dma_wait3A_4 = tpu.memref_slice %arg3[%mul3A_2] : memref<32768xi32, #tpu.memory_space<hbm>> -> memref<1024xi32, #tpu.memory_space<hbm>>
    tpu.wait_dma2 semaphore(%arg9 : memref<!tpu.dma_semaphore, #tpu.memory_space<semaphore_mem>>) src(%dma_wait3A_4 : memref<1024xi32, #tpu.memory_space<hbm>>) dst(%arg6 : memref<1024xi32, #tpu.memory_space<vmem>>)
    %broadcast_in_dim3A = arith.constant 0 : i32
    %broadcast_in_dim3A_5 = vector.broadcast %broadcast_in_dim3A : i32 to vector<16xi32>
    %broadcast_in_dim3A_6 = arith.constant 1 : i32
    %broadcast_in_dim3A_7 = vector.broadcast %broadcast_in_dim3A_6 : i32 to vector<16xi32>
    %broadcast_in_dim3A_8 = arith.constant 2 : i32
    %broadcast_in_dim3A_9 = vector.broadcast %broadcast_in_dim3A_8 : i32 to vector<16xi32>
    %broadcast_in_dim3A_10 = arith.constant 3 : i32
    %broadcast_in_dim3A_11 = vector.broadcast %broadcast_in_dim3A_10 : i32 to vector<16xi32>
    %broadcast_in_dim3A_12 = arith.constant 4 : i32
    %broadcast_in_dim3A_13 = vector.broadcast %broadcast_in_dim3A_12 : i32 to vector<16xi32>
    %broadcast_in_dim3A_14 = arith.constant 5 : i32
    %broadcast_in_dim3A_15 = vector.broadcast %broadcast_in_dim3A_14 : i32 to vector<16xi32>
    %broadcast_in_dim3A_16 = arith.constant 6 : i32
    %broadcast_in_dim3A_17 = vector.broadcast %broadcast_in_dim3A_16 : i32 to vector<16xi32>
    %broadcast_in_dim3A_18 = arith.constant 7 : i32
    %broadcast_in_dim3A_19 = vector.broadcast %broadcast_in_dim3A_18 : i32 to vector<16xi32>
    %broadcast_in_dim3A_20 = arith.constant 8 : i32
    %broadcast_in_dim3A_21 = vector.broadcast %broadcast_in_dim3A_20 : i32 to vector<16xi32>
    %broadcast_in_dim3A_22 = arith.constant 9 : i32
    %broadcast_in_dim3A_23 = vector.broadcast %broadcast_in_dim3A_22 : i32 to vector<16xi32>
    %broadcast_in_dim3A_24 = arith.constant 10 : i32
    %broadcast_in_dim3A_25 = vector.broadcast %broadcast_in_dim3A_24 : i32 to vector<16xi32>
    %broadcast_in_dim3A_26 = arith.constant 11 : i32
    %broadcast_in_dim3A_27 = vector.broadcast %broadcast_in_dim3A_26 : i32 to vector<16xi32>
    %broadcast_in_dim3A_28 = arith.constant 12 : i32
    %broadcast_in_dim3A_29 = vector.broadcast %broadcast_in_dim3A_28 : i32 to vector<16xi32>
    %broadcast_in_dim3A_30 = arith.constant 13 : i32
    %broadcast_in_dim3A_31 = vector.broadcast %broadcast_in_dim3A_30 : i32 to vector<16xi32>
    %broadcast_in_dim3A_32 = arith.constant 14 : i32
    %broadcast_in_dim3A_33 = vector.broadcast %broadcast_in_dim3A_32 : i32 to vector<16xi32>
    %broadcast_in_dim3A_34 = arith.constant 15 : i32
    %broadcast_in_dim3A_35 = vector.broadcast %broadcast_in_dim3A_34 : i32 to vector<16xi32>
    %scan3A = arith.constant 0 : i32
    %scan3A_36 = arith.constant 0 : i32
    %scan3A_37 = arith.constant 64 : i32
    %scan3A_38 = arith.addi %scan3A_36, %scan3A_37 : i32
    %scan3A_39 = arith.constant 1 : i32
    %scan3A_40 = scf.for %scan3A_207 = %scan3A_36 to %scan3A_38 step %scan3A_39 iter_args(%scan3A_208 = %scan3A) -> (i32)  : i32 {
      %mul3A_209 = arith.constant 16 : i32
      %mul3A_210 = arith.muli %scan3A_207, %mul3A_209 : i32
      %get3A = arith.index_cast %mul3A_210 : i32 to index
      %get3A_211 = tpu.vector_load %arg6[%get3A] {strides = array<i32>} : memref<1024xi32, #tpu.memory_space<vmem>>, vector<16xi32>,
      %gather3A = tpu.vector_load_idx %arg5[%broadcast_in_dim3A_5, %get3A_211] : memref<64x1024xf32, #tpu.memory_space<vmem>>[vector<16xi32>, vector<16xi32>], vector<16xf32>,
      %mul3A_212 = arith.constant 16 : i32
      %mul3A_213 = arith.muli %scan3A_207, %mul3A_212 : i32
      %swap3A = arith.constant 0 : i32
      %swap3A_214 = arith.index_cast %swap3A : i32 to index
      %swap3A_215 = arith.index_cast %mul3A_213 : i32 to index
      %swap3A_216 = tpu.vector_load %arg7[%swap3A_214, %swap3A_215] {strides = array<i32>} : memref<16x1024xf32, #tpu.memory_space<vmem>>, vector<16xf32>,
      tpu.vector_store %arg7[%swap3A_214, %swap3A_215], %gather3A {strides = array<i32>} : memref<16x1024xf32, #tpu.memory_space<vmem>>, vector<16xf32>,
      %gather3A_217 = tpu.vector_load_idx %arg5[%broadcast_in_dim3A_7, %get3A_211] : memref<64x1024xf32, #tpu.memory_space<vmem>>[vector<16xi32>, vector<16xi32>], vector<16xf32>,
      %mul3A_218 = arith.constant 16 : i32
      %mul3A_219 = arith.muli %scan3A_207, %mul3A_218 : i32
      %swap3A_220 = arith.constant 1 : i32
      %swap3A_221 = arith.index_cast %swap3A_220 : i32 to index
      %swap3A_222 = arith.index_cast %mul3A_219 : i32 to index
      %swap3A_223 = tpu.vector_load %arg7[%swap3A_221, %swap3A_222] {strides = array<i32>} : memref<16x1024xf32, #tpu.memory_space<vmem>>, vector<16xf32>,
      tpu.vector_store %arg7[%swap3A_221, %swap3A_222], %gather3A_217 {strides = array<i32>} : memref<16x1024xf32, #tpu.memory_space<vmem>>, vector<16xf32>,
      %gather3A_224 = tpu.vector_load_idx %arg5[%broadcast_in_dim3A_9, %get3A_211] : memref<64x1024xf32, #tpu.memory_space<vmem>>[vector<16xi32>, vector<16xi32>], vector<16xf32>,
      %mul3A_225 = arith.constant 16 : i32
      %mul3A_226 = arith.muli %scan3A_207, %mul3A_225 : i32
      %swap3A_227 = arith.constant 2 : i32
      %swap3A_228 = arith.index_cast %swap3A_227 : i32 to index
      %swap3A_229 = arith.index_cast %mul3A_226 : i32 to index
      %swap3A_230 = tpu.vector_load %arg7[%swap3A_228, %swap3A_229] {strides = array<i32>} : memref<16x1024xf32, #tpu.memory_space<vmem>>, vector<16xf32>,
      tpu.vector_store %arg7[%swap3A_228, %swap3A_229], %gather3A_224 {strides = array<i32>} : memref<16x1024xf32, #tpu.memory_space<vmem>>, vector<16xf32>,
      %gather3A_231 = tpu.vector_load_idx %arg5[%broadcast_in_dim3A_11, %get3A_211] : memref<64x1024xf32, #tpu.memory_space<vmem>>[vector<16xi32>, vector<16xi32>], vector<16xf32>,
      %mul3A_232 = arith.constant 16 : i32
      %mul3A_233 = arith.muli %scan3A_207, %mul3A_232 : i32
      %swap3A_234 = arith.constant 3 : i32
      %swap3A_235 = arith.index_cast %swap3A_234 : i32 to index
      %swap3A_236 = arith.index_cast %mul3A_233 : i32 to index
      %swap3A_237 = tpu.vector_load %arg7[%swap3A_235, %swap3A_236] {strides = array<i32>} : memref<16x1024xf32, #tpu.memory_space<vmem>>, vector<16xf32>,
      tpu.vector_store %arg7[%swap3A_235, %swap3A_236], %gather3A_231 {strides = array<i32>} : memref<16x1024xf32, #tpu.memory_space<vmem>>, vector<16xf32>,
      %gather3A_238 = tpu.vector_load_idx %arg5[%broadcast_in_dim3A_13, %get3A_211] : memref<64x1024xf32, #tpu.memory_space<vmem>>[vector<16xi32>, vector<16xi32>], vector<16xf32>,
      %mul3A_239 = arith.constant 16 : i32
      %mul3A_240 = arith.muli %scan3A_207, %mul3A_239 : i32
      %swap3A_241 = arith.constant 4 : i32
      %swap3A_242 = arith.index_cast %swap3A_241 : i32 to index
      %swap3A_243 = arith.index_cast %mul3A_240 : i32 to index
      %swap3A_244 = tpu.vector_load %arg7[%swap3A_242, %swap3A_243] {strides = array<i32>} : memref<16x1024xf32, #tpu.memory_space<vmem>>, vector<16xf32>,
      tpu.vector_store %arg7[%swap3A_242, %swap3A_243], %gather3A_238 {strides = array<i32>} : memref<16x1024xf32, #tpu.memory_space<vmem>>, vector<16xf32>,
      %gather3A_245 = tpu.vector_load_idx %arg5[%broadcast_in_dim3A_15, %get3A_211] : memref<64x1024xf32, #tpu.memory_space<vmem>>[vector<16xi32>, vector<16xi32>], vector<16xf32>,
      %mul3A_246 = arith.constant 16 : i32
      %mul3A_247 = arith.muli %scan3A_207, %mul3A_246 : i32
      %swap3A_248 = arith.constant 5 : i32
      %swap3A_249 = arith.index_cast %swap3A_248 : i32 to index
      %swap3A_250 = arith.index_cast %mul3A_247 : i32 to index
      %swap3A_251 = tpu.vector_load %arg7[%swap3A_249, %swap3A_250] {strides = array<i32>} : memref<16x1024xf32, #tpu.memory_space<vmem>>, vector<16xf32>,
      tpu.vector_store %arg7[%swap3A_249, %swap3A_250], %gather3A_245 {strides = array<i32>} : memref<16x1024xf32, #tpu.memory_space<vmem>>, vector<16xf32>,
      %gather3A_252 = tpu.vector_load_idx %arg5[%broadcast_in_dim3A_17, %get3A_211] : memref<64x1024xf32, #tpu.memory_space<vmem>>[vector<16xi32>, vector<16xi32>], vector<16xf32>,
      %mul3A_253 = arith.constant 16 : i32
      %mul3A_254 = arith.muli %scan3A_207, %mul3A_253 : i32
      %swap3A_255 = arith.constant 6 : i32
      %swap3A_256 = arith.index_cast %swap3A_255 : i32 to index
      %swap3A_257 = arith.index_cast %mul3A_254 : i32 to index
      %swap3A_258 = tpu.vector_load %arg7[%swap3A_256, %swap3A_257] {strides = array<i32>} : memref<16x1024xf32, #tpu.memory_space<vmem>>, vector<16xf32>,
      tpu.vector_store %arg7[%swap3A_256, %swap3A_257], %gather3A_252 {strides = array<i32>} : memref<16x1024xf32, #tpu.memory_space<vmem>>, vector<16xf32>,
      %gather3A_259 = tpu.vector_load_idx %arg5[%broadcast_in_dim3A_19, %get3A_211] : memref<64x1024xf32, #tpu.memory_space<vmem>>[vector<16xi32>, vector<16xi32>], vector<16xf32>,
      %mul3A_260 = arith.constant 16 : i32
      %mul3A_261 = arith.muli %scan3A_207, %mul3A_260 : i32
      %swap3A_262 = arith.constant 7 : i32
      %swap3A_263 = arith.index_cast %swap3A_262 : i32 to index
      %swap3A_264 = arith.index_cast %mul3A_261 : i32 to index
      %swap3A_265 = tpu.vector_load %arg7[%swap3A_263, %swap3A_264] {strides = array<i32>} : memref<16x1024xf32, #tpu.memory_space<vmem>>, vector<16xf32>,
      tpu.vector_store %arg7[%swap3A_263, %swap3A_264], %gather3A_259 {strides = array<i32>} : memref<16x1024xf32, #tpu.memory_space<vmem>>, vector<16xf32>,
      %gather3A_266 = tpu.vector_load_idx %arg5[%broadcast_in_dim3A_21, %get3A_211] : memref<64x1024xf32, #tpu.memory_space<vmem>>[vector<16xi32>, vector<16xi32>], vector<16xf32>,
      %mul3A_267 = arith.constant 16 : i32
      %mul3A_268 = arith.muli %scan3A_207, %mul3A_267 : i32
      %swap3A_269 = arith.constant 8 : i32
      %swap3A_270 = arith.index_cast %swap3A_269 : i32 to index
      %swap3A_271 = arith.index_cast %mul3A_268 : i32 to index
      %swap3A_272 = tpu.vector_load %arg7[%swap3A_270, %swap3A_271] {strides = array<i32>} : memref<16x1024xf32, #tpu.memory_space<vmem>>, vector<16xf32>,
      tpu.vector_store %arg7[%swap3A_270, %swap3A_271], %gather3A_266 {strides = array<i32>} : memref<16x1024xf32, #tpu.memory_space<vmem>>, vector<16xf32>,
      %gather3A_273 = tpu.vector_load_idx %arg5[%broadcast_in_dim3A_23, %get3A_211] : memref<64x1024xf32, #tpu.memory_space<vmem>>[vector<16xi32>, vector<16xi32>], vector<16xf32>,
      %mul3A_274 = arith.constant 16 : i32
      %mul3A_275 = arith.muli %scan3A_207, %mul3A_274 : i32
      %swap3A_276 = arith.constant 9 : i32
      %swap3A_277 = arith.index_cast %swap3A_276 : i32 to index
      %swap3A_278 = arith.index_cast %mul3A_275 : i32 to index
      %swap3A_279 = tpu.vector_load %arg7[%swap3A_277, %swap3A_278] {strides = array<i32>} : memref<16x1024xf32, #tpu.memory_space<vmem>>, vector<16xf32>,
      tpu.vector_store %arg7[%swap3A_277, %swap3A_278], %gather3A_273 {strides = array<i32>} : memref<16x1024xf32, #tpu.memory_space<vmem>>, vector<16xf32>,
      %gather3A_280 = tpu.vector_load_idx %arg5[%broadcast_in_dim3A_25, %get3A_211] : memref<64x1024xf32, #tpu.memory_space<vmem>>[vector<16xi32>, vector<16xi32>], vector<16xf32>,
      %mul3A_281 = arith.constant 16 : i32
      %mul3A_282 = arith.muli %scan3A_207, %mul3A_281 : i32
      %swap3A_283 = arith.constant 10 : i32
      %swap3A_284 = arith.index_cast %swap3A_283 : i32 to index
      %swap3A_285 = arith.index_cast %mul3A_282 : i32 to index
      %swap3A_286 = tpu.vector_load %arg7[%swap3A_284, %swap3A_285] {strides = array<i32>} : memref<16x1024xf32, #tpu.memory_space<vmem>>, vector<16xf32>,
      tpu.vector_store %arg7[%swap3A_284, %swap3A_285], %gather3A_280 {strides = array<i32>} : memref<16x1024xf32, #tpu.memory_space<vmem>>, vector<16xf32>,
      %gather3A_287 = tpu.vector_load_idx %arg5[%broadcast_in_dim3A_27, %get3A_211] : memref<64x1024xf32, #tpu.memory_space<vmem>>[vector<16xi32>, vector<16xi32>], vector<16xf32>,
      %mul3A_288 = arith.constant 16 : i32
      %mul3A_289 = arith.muli %scan3A_207, %mul3A_288 : i32
      %swap3A_290 = arith.constant 11 : i32
      %swap3A_291 = arith.index_cast %swap3A_290 : i32 to index
      %swap3A_292 = arith.index_cast %mul3A_289 : i32 to index
      %swap3A_293 = tpu.vector_load %arg7[%swap3A_291, %swap3A_292] {strides = array<i32>} : memref<16x1024xf32, #tpu.memory_space<vmem>>, vector<16xf32>,
      tpu.vector_store %arg7[%swap3A_291, %swap3A_292], %gather3A_287 {strides = array<i32>} : memref<16x1024xf32, #tpu.memory_space<vmem>>, vector<16xf32>,
      %gather3A_294 = tpu.vector_load_idx %arg5[%broadcast_in_dim3A_29, %get3A_211] : memref<64x1024xf32, #tpu.memory_space<vmem>>[vector<16xi32>, vector<16xi32>], vector<16xf32>,
      %mul3A_295 = arith.constant 16 : i32
      %mul3A_296 = arith.muli %scan3A_207, %mul3A_295 : i32
      %swap3A_297 = arith.constant 12 : i32
      %swap3A_298 = arith.index_cast %swap3A_297 : i32 to index
      %swap3A_299 = arith.index_cast %mul3A_296 : i32 to index
      %swap3A_300 = tpu.vector_load %arg7[%swap3A_298, %swap3A_299] {strides = array<i32>} : memref<16x1024xf32, #tpu.memory_space<vmem>>, vector<16xf32>,
      tpu.vector_store %arg7[%swap3A_298, %swap3A_299], %gather3A_294 {strides = array<i32>} : memref<16x1024xf32, #tpu.memory_space<vmem>>, vector<16xf32>,
      %gather3A_301 = tpu.vector_load_idx %arg5[%broadcast_in_dim3A_31, %get3A_211] : memref<64x1024xf32, #tpu.memory_space<vmem>>[vector<16xi32>, vector<16xi32>], vector<16xf32>,
      %mul3A_302 = arith.constant 16 : i32
      %mul3A_303 = arith.muli %scan3A_207, %mul3A_302 : i32
      %swap3A_304 = arith.constant 13 : i32
      %swap3A_305 = arith.index_cast %swap3A_304 : i32 to index
      %swap3A_306 = arith.index_cast %mul3A_303 : i32 to index
      %swap3A_307 = tpu.vector_load %arg7[%swap3A_305, %swap3A_306] {strides = array<i32>} : memref<16x1024xf32, #tpu.memory_space<vmem>>, vector<16xf32>,
      tpu.vector_store %arg7[%swap3A_305, %swap3A_306], %gather3A_301 {strides = array<i32>} : memref<16x1024xf32, #tpu.memory_space<vmem>>, vector<16xf32>,
      %gather3A_308 = tpu.vector_load_idx %arg5[%broadcast_in_dim3A_33, %get3A_211] : memref<64x1024xf32, #tpu.memory_space<vmem>>[vector<16xi32>, vector<16xi32>], vector<16xf32>,
      %mul3A_309 = arith.constant 16 : i32
      %mul3A_310 = arith.muli %scan3A_207, %mul3A_309 : i32
      %swap3A_311 = arith.constant 14 : i32
      %swap3A_312 = arith.index_cast %swap3A_311 : i32 to index
      %swap3A_313 = arith.index_cast %mul3A_310 : i32 to index
      %swap3A_314 = tpu.vector_load %arg7[%swap3A_312, %swap3A_313] {strides = array<i32>} : memref<16x1024xf32, #tpu.memory_space<vmem>>, vector<16xf32>,
      tpu.vector_store %arg7[%swap3A_312, %swap3A_313], %gather3A_308 {strides = array<i32>} : memref<16x1024xf32, #tpu.memory_space<vmem>>, vector<16xf32>,
      %gather3A_315 = tpu.vector_load_idx %arg5[%broadcast_in_dim3A_35, %get3A_211] : memref<64x1024xf32, #tpu.memory_space<vmem>>[vector<16xi32>, vector<16xi32>], vector<16xf32>,
      %mul3A_316 = arith.constant 16 : i32
      %mul3A_317 = arith.muli %scan3A_207, %mul3A_316 : i32
      %swap3A_318 = arith.constant 15 : i32
      %swap3A_319 = arith.index_cast %swap3A_318 : i32 to index
      %swap3A_320 = arith.index_cast %mul3A_317 : i32 to index
      %swap3A_321 = tpu.vector_load %arg7[%swap3A_319, %swap3A_320] {strides = array<i32>} : memref<16x1024xf32, #tpu.memory_space<vmem>>, vector<16xf32>,
      tpu.vector_store %arg7[%swap3A_319, %swap3A_320], %gather3A_315 {strides = array<i32>} : memref<16x1024xf32, #tpu.memory_space<vmem>>, vector<16xf32>,
      %scan3A_322 = arith.constant 0 : i32
      scf.yield %scan3A_322 : i32
    }
    %scan3A_41 = arith.constant 64 : i32
    %mul3A_42 = arith.constant 64 : i32
    %mul3A_43 = arith.muli %add3A, %mul3A_42 : i32
    %add3A_44 = arith.constant 0 : i32
    %add3A_45 = arith.addi %mul3A_43, %add3A_44 : i32
    %dma_start3A_46 = arith.constant 0 : i32
    %dma_start3A_47 = tpu.memref_slice %arg4[%add3A_45, %dma_start3A_46] : memref<2048x1024xf32, #tpu.memory_space<hbm>> -> memref<16x1024xf32, #tpu.memory_space<hbm>>
    %dma_start3A_48 = arith.constant 0 : i32
    %dma_start3A_49 = tpu.memref_slice %arg4[%add3A_45, %dma_start3A_48] : memref<2048x1024xf32, #tpu.memory_space<hbm>> -> memref<16x1024xf32, #tpu.memory_space<hbm>>
    tpu.enqueue_dma source(%arg7 : memref<16x1024xf32, #tpu.memory_space<vmem>>) target(%dma_start3A_49 : memref<16x1024xf32, #tpu.memory_space<hbm>>) target_semaphore(%arg10 : memref<!tpu.dma_semaphore, #tpu.memory_space<semaphore_mem>>)
    %broadcast_in_dim3A_50 = arith.constant 16 : i32
    %broadcast_in_dim3A_51 = vector.broadcast %broadcast_in_dim3A_50 : i32 to vector<16xi32>
    %broadcast_in_dim3A_52 = arith.constant 17 : i32
    %broadcast_in_dim3A_53 = vector.broadcast %broadcast_in_dim3A_52 : i32 to vector<16xi32>
    %broadcast_in_dim3A_54 = arith.constant 18 : i32
    %broadcast_in_dim3A_55 = vector.broadcast %broadcast_in_dim3A_54 : i32 to vector<16xi32>
    %broadcast_in_dim3A_56 = arith.constant 19 : i32
    %broadcast_in_dim3A_57 = vector.broadcast %broadcast_in_dim3A_56 : i32 to vector<16xi32>
    %broadcast_in_dim3A_58 = arith.constant 20 : i32
    %broadcast_in_dim3A_59 = vector.broadcast %broadcast_in_dim3A_58 : i32 to vector<16xi32>
    %broadcast_in_dim3A_60 = arith.constant 21 : i32
    %broadcast_in_dim3A_61 = vector.broadcast %broadcast_in_dim3A_60 : i32 to vector<16xi32>
    %broadcast_in_dim3A_62 = arith.constant 22 : i32
    %broadcast_in_dim3A_63 = vector.broadcast %broadcast_in_dim3A_62 : i32 to vector<16xi32>
    %broadcast_in_dim3A_64 = arith.constant 23 : i32
    %broadcast_in_dim3A_65 = vector.broadcast %broadcast_in_dim3A_64 : i32 to vector<16xi32>
    %broadcast_in_dim3A_66 = arith.constant 24 : i32
    %broadcast_in_dim3A_67 = vector.broadcast %broadcast_in_dim3A_66 : i32 to vector<16xi32>
    %broadcast_in_dim3A_68 = arith.constant 25 : i32
    %broadcast_in_dim3A_69 = vector.broadcast %broadcast_in_dim3A_68 : i32 to vector<16xi32>
    %broadcast_in_dim3A_70 = arith.constant 26 : i32
    %broadcast_in_dim3A_71 = vector.broadcast %broadcast_in_dim3A_70 : i32 to vector<16xi32>
    %broadcast_in_dim3A_72 = arith.constant 27 : i32
    %broadcast_in_dim3A_73 = vector.broadcast %broadcast_in_dim3A_72 : i32 to vector<16xi32>
    %broadcast_in_dim3A_74 = arith.constant 28 : i32
    %broadcast_in_dim3A_75 = vector.broadcast %broadcast_in_dim3A_74 : i32 to vector<16xi32>
    %broadcast_in_dim3A_76 = arith.constant 29 : i32
    %broadcast_in_dim3A_77 = vector.broadcast %broadcast_in_dim3A_76 : i32 to vector<16xi32>
    %broadcast_in_dim3A_78 = arith.constant 30 : i32
    %broadcast_in_dim3A_79 = vector.broadcast %broadcast_in_dim3A_78 : i32 to vector<16xi32>
    %broadcast_in_dim3A_80 = arith.constant 31 : i32
    %broadcast_in_dim3A_81 = vector.broadcast %broadcast_in_dim3A_80 : i32 to vector<16xi32>
    %scan3A_82 = arith.constant 0 : i32
    %scan3A_83 = arith.constant 0 : i32
    %scan3A_84 = arith.constant 64 : i32
    %scan3A_85 = arith.addi %scan3A_83, %scan3A_84 : i32
    %scan3A_86 = arith.constant 1 : i32
    %scan3A_87 = scf.for %scan3A_207 = %scan3A_83 to %scan3A_85 step %scan3A_86 iter_args(%scan3A_208 = %scan3A_82) -> (i32)  : i32 {
      %mul3A_209 = arith.constant 16 : i32
      %mul3A_210 = arith.muli %scan3A_207, %mul3A_209 : i32
      %get3A = arith.index_cast %mul3A_210 : i32 to index
      %get3A_211 = tpu.vector_load %arg6[%get3A] {strides = array<i32>} : memref<1024xi32, #tpu.memory_space<vmem>>, vector<16xi32>,
      %gather3A = tpu.vector_load_idx %arg5[%broadcast_in_dim3A_51, %get3A_211] : memref<64x1024xf32, #tpu.memory_space<vmem>>[vector<16xi32>, vector<16xi32>], vector<16xf32>,
      %mul3A_212 = arith.constant 16 : i32
      %mul3A_213 = arith.muli %scan3A_207, %mul3A_212 : i32
      %swap3A = arith.constant 0 : i32
      %swap3A_214 = arith.index_cast %swap3A : i32 to index
      %swap3A_215 = arith.index_cast %mul3A_213 : i32 to index
      %swap3A_216 = tpu.vector_load %arg8[%swap3A_214, %swap3A_215] {strides = array<i32>} : memref<16x1024xf32, #tpu.memory_space<vmem>>, vector<16xf32>,
      tpu.vector_store %arg8[%swap3A_214, %swap3A_215], %gather3A {strides = array<i32>} : memref<16x1024xf32, #tpu.memory_space<vmem>>, vector<16xf32>,
      %gather3A_217 = tpu.vector_load_idx %arg5[%broadcast_in_dim3A_53, %get3A_211] : memref<64x1024xf32, #tpu.memory_space<vmem>>[vector<16xi32>, vector<16xi32>], vector<16xf32>,
      %mul3A_218 = arith.constant 16 : i32
      %mul3A_219 = arith.muli %scan3A_207, %mul3A_218 : i32
      %swap3A_220 = arith.constant 1 : i32
      %swap3A_221 = arith.index_cast %swap3A_220 : i32 to index
      %swap3A_222 = arith.index_cast %mul3A_219 : i32 to index
      %swap3A_223 = tpu.vector_load %arg8[%swap3A_221, %swap3A_222] {strides = array<i32>} : memref<16x1024xf32, #tpu.memory_space<vmem>>, vector<16xf32>,
      tpu.vector_store %arg8[%swap3A_221, %swap3A_222], %gather3A_217 {strides = array<i32>} : memref<16x1024xf32, #tpu.memory_space<vmem>>, vector<16xf32>,
      %gather3A_224 = tpu.vector_load_idx %arg5[%broadcast_in_dim3A_55, %get3A_211] : memref<64x1024xf32, #tpu.memory_space<vmem>>[vector<16xi32>, vector<16xi32>], vector<16xf32>,
      %mul3A_225 = arith.constant 16 : i32
      %mul3A_226 = arith.muli %scan3A_207, %mul3A_225 : i32
      %swap3A_227 = arith.constant 2 : i32
      %swap3A_228 = arith.index_cast %swap3A_227 : i32 to index
      %swap3A_229 = arith.index_cast %mul3A_226 : i32 to index
      %swap3A_230 = tpu.vector_load %arg8[%swap3A_228, %swap3A_229] {strides = array<i32>} : memref<16x1024xf32, #tpu.memory_space<vmem>>, vector<16xf32>,
      tpu.vector_store %arg8[%swap3A_228, %swap3A_229], %gather3A_224 {strides = array<i32>} : memref<16x1024xf32, #tpu.memory_space<vmem>>, vector<16xf32>,
      %gather3A_231 = tpu.vector_load_idx %arg5[%broadcast_in_dim3A_57, %get3A_211] : memref<64x1024xf32, #tpu.memory_space<vmem>>[vector<16xi32>, vector<16xi32>], vector<16xf32>,
      %mul3A_232 = arith.constant 16 : i32
      %mul3A_233 = arith.muli %scan3A_207, %mul3A_232 : i32
      %swap3A_234 = arith.constant 3 : i32
      %swap3A_235 = arith.index_cast %swap3A_234 : i32 to index
      %swap3A_236 = arith.index_cast %mul3A_233 : i32 to index
      %swap3A_237 = tpu.vector_load %arg8[%swap3A_235, %swap3A_236] {strides = array<i32>} : memref<16x1024xf32, #tpu.memory_space<vmem>>, vector<16xf32>,
      tpu.vector_store %arg8[%swap3A_235, %swap3A_236], %gather3A_231 {strides = array<i32>} : memref<16x1024xf32, #tpu.memory_space<vmem>>, vector<16xf32>,
      %gather3A_238 = tpu.vector_load_idx %arg5[%broadcast_in_dim3A_59, %get3A_211] : memref<64x1024xf32, #tpu.memory_space<vmem>>[vector<16xi32>, vector<16xi32>], vector<16xf32>,
      %mul3A_239 = arith.constant 16 : i32
      %mul3A_240 = arith.muli %scan3A_207, %mul3A_239 : i32
      %swap3A_241 = arith.constant 4 : i32
      %swap3A_242 = arith.index_cast %swap3A_241 : i32 to index
      %swap3A_243 = arith.index_cast %mul3A_240 : i32 to index
      %swap3A_244 = tpu.vector_load %arg8[%swap3A_242, %swap3A_243] {strides = array<i32>} : memref<16x1024xf32, #tpu.memory_space<vmem>>, vector<16xf32>,
      tpu.vector_store %arg8[%swap3A_242, %swap3A_243], %gather3A_238 {strides = array<i32>} : memref<16x1024xf32, #tpu.memory_space<vmem>>, vector<16xf32>,
      %gather3A_245 = tpu.vector_load_idx %arg5[%broadcast_in_dim3A_61, %get3A_211] : memref<64x1024xf32, #tpu.memory_space<vmem>>[vector<16xi32>, vector<16xi32>], vector<16xf32>,
      %mul3A_246 = arith.constant 16 : i32
      %mul3A_247 = arith.muli %scan3A_207, %mul3A_246 : i32
      %swap3A_248 = arith.constant 5 : i32
      %swap3A_249 = arith.index_cast %swap3A_248 : i32 to index
      %swap3A_250 = arith.index_cast %mul3A_247 : i32 to index
      %swap3A_251 = tpu.vector_load %arg8[%swap3A_249, %swap3A_250] {strides = array<i32>} : memref<16x1024xf32, #tpu.memory_space<vmem>>, vector<16xf32>,
      tpu.vector_store %arg8[%swap3A_249, %swap3A_250], %gather3A_245 {strides = array<i32>} : memref<16x1024xf32, #tpu.memory_space<vmem>>, vector<16xf32>,
      %gather3A_252 = tpu.vector_load_idx %arg5[%broadcast_in_dim3A_63, %get3A_211] : memref<64x1024xf32, #tpu.memory_space<vmem>>[vector<16xi32>, vector<16xi32>], vector<16xf32>,
      %mul3A_253 = arith.constant 16 : i32
      %mul3A_254 = arith.muli %scan3A_207, %mul3A_253 : i32
      %swap3A_255 = arith.constant 6 : i32
      %swap3A_256 = arith.index_cast %swap3A_255 : i32 to index
      %swap3A_257 = arith.index_cast %mul3A_254 : i32 to index
      %swap3A_258 = tpu.vector_load %arg8[%swap3A_256, %swap3A_257] {strides = array<i32>} : memref<16x1024xf32, #tpu.memory_space<vmem>>, vector<16xf32>,
      tpu.vector_store %arg8[%swap3A_256, %swap3A_257], %gather3A_252 {strides = array<i32>} : memref<16x1024xf32, #tpu.memory_space<vmem>>, vector<16xf32>,
      %gather3A_259 = tpu.vector_load_idx %arg5[%broadcast_in_dim3A_65, %get3A_211] : memref<64x1024xf32, #tpu.memory_space<vmem>>[vector<16xi32>, vector<16xi32>], vector<16xf32>,
      %mul3A_260 = arith.constant 16 : i32
      %mul3A_261 = arith.muli %scan3A_207, %mul3A_260 : i32
      %swap3A_262 = arith.constant 7 : i32
      %swap3A_263 = arith.index_cast %swap3A_262 : i32 to index
      %swap3A_264 = arith.index_cast %mul3A_261 : i32 to index
      %swap3A_265 = tpu.vector_load %arg8[%swap3A_263, %swap3A_264] {strides = array<i32>} : memref<16x1024xf32, #tpu.memory_space<vmem>>, vector<16xf32>,
      tpu.vector_store %arg8[%swap3A_263, %swap3A_264], %gather3A_259 {strides = array<i32>} : memref<16x1024xf32, #tpu.memory_space<vmem>>, vector<16xf32>,
      %gather3A_266 = tpu.vector_load_idx %arg5[%broadcast_in_dim3A_67, %get3A_211] : memref<64x1024xf32, #tpu.memory_space<vmem>>[vector<16xi32>, vector<16xi32>], vector<16xf32>,
      %mul3A_267 = arith.constant 16 : i32
      %mul3A_268 = arith.muli %scan3A_207, %mul3A_267 : i32
      %swap3A_269 = arith.constant 8 : i32
      %swap3A_270 = arith.index_cast %swap3A_269 : i32 to index
      %swap3A_271 = arith.index_cast %mul3A_268 : i32 to index
      %swap3A_272 = tpu.vector_load %arg8[%swap3A_270, %swap3A_271] {strides = array<i32>} : memref<16x1024xf32, #tpu.memory_space<vmem>>, vector<16xf32>,
      tpu.vector_store %arg8[%swap3A_270, %swap3A_271], %gather3A_266 {strides = array<i32>} : memref<16x1024xf32, #tpu.memory_space<vmem>>, vector<16xf32>,
      %gather3A_273 = tpu.vector_load_idx %arg5[%broadcast_in_dim3A_69, %get3A_211] : memref<64x1024xf32, #tpu.memory_space<vmem>>[vector<16xi32>, vector<16xi32>], vector<16xf32>,
      %mul3A_274 = arith.constant 16 : i32
      %mul3A_275 = arith.muli %scan3A_207, %mul3A_274 : i32
      %swap3A_276 = arith.constant 9 : i32
      %swap3A_277 = arith.index_cast %swap3A_276 : i32 to index
      %swap3A_278 = arith.index_cast %mul3A_275 : i32 to index
      %swap3A_279 = tpu.vector_load %arg8[%swap3A_277, %swap3A_278] {strides = array<i32>} : memref<16x1024xf32, #tpu.memory_space<vmem>>, vector<16xf32>,
      tpu.vector_store %arg8[%swap3A_277, %swap3A_278], %gather3A_273 {strides = array<i32>} : memref<16x1024xf32, #tpu.memory_space<vmem>>, vector<16xf32>,
      %gather3A_280 = tpu.vector_load_idx %arg5[%broadcast_in_dim3A_71, %get3A_211] : memref<64x1024xf32, #tpu.memory_space<vmem>>[vector<16xi32>, vector<16xi32>], vector<16xf32>,
      %mul3A_281 = arith.constant 16 : i32
      %mul3A_282 = arith.muli %scan3A_207, %mul3A_281 : i32
      %swap3A_283 = arith.constant 10 : i32
      %swap3A_284 = arith.index_cast %swap3A_283 : i32 to index
      %swap3A_285 = arith.index_cast %mul3A_282 : i32 to index
      %swap3A_286 = tpu.vector_load %arg8[%swap3A_284, %swap3A_285] {strides = array<i32>} : memref<16x1024xf32, #tpu.memory_space<vmem>>, vector<16xf32>,
      tpu.vector_store %arg8[%swap3A_284, %swap3A_285], %gather3A_280 {strides = array<i32>} : memref<16x1024xf32, #tpu.memory_space<vmem>>, vector<16xf32>,
      %gather3A_287 = tpu.vector_load_idx %arg5[%broadcast_in_dim3A_73, %get3A_211] : memref<64x1024xf32, #tpu.memory_space<vmem>>[vector<16xi32>, vector<16xi32>], vector<16xf32>,
      %mul3A_288 = arith.constant 16 : i32
      %mul3A_289 = arith.muli %scan3A_207, %mul3A_288 : i32
      %swap3A_290 = arith.constant 11 : i32
      %swap3A_291 = arith.index_cast %swap3A_290 : i32 to index
      %swap3A_292 = arith.index_cast %mul3A_289 : i32 to index
      %swap3A_293 = tpu.vector_load %arg8[%swap3A_291, %swap3A_292] {strides = array<i32>} : memref<16x1024xf32, #tpu.memory_space<vmem>>, vector<16xf32>,
      tpu.vector_store %arg8[%swap3A_291, %swap3A_292], %gather3A_287 {strides = array<i32>} : memref<16x1024xf32, #tpu.memory_space<vmem>>, vector<16xf32>,
      %gather3A_294 = tpu.vector_load_idx %arg5[%broadcast_in_dim3A_75, %get3A_211] : memref<64x1024xf32, #tpu.memory_space<vmem>>[vector<16xi32>, vector<16xi32>], vector<16xf32>,
      %mul3A_295 = arith.constant 16 : i32
      %mul3A_296 = arith.muli %scan3A_207, %mul3A_295 : i32
      %swap3A_297 = arith.constant 12 : i32
      %swap3A_298 = arith.index_cast %swap3A_297 : i32 to index
      %swap3A_299 = arith.index_cast %mul3A_296 : i32 to index
      %swap3A_300 = tpu.vector_load %arg8[%swap3A_298, %swap3A_299] {strides = array<i32>} : memref<16x1024xf32, #tpu.memory_space<vmem>>, vector<16xf32>,
      tpu.vector_store %arg8[%swap3A_298, %swap3A_299], %gather3A_294 {strides = array<i32>} : memref<16x1024xf32, #tpu.memory_space<vmem>>, vector<16xf32>,
      %gather3A_301 = tpu.vector_load_idx %arg5[%broadcast_in_dim3A_77, %get3A_211] : memref<64x1024xf32, #tpu.memory_space<vmem>>[vector<16xi32>, vector<16xi32>], vector<16xf32>,
      %mul3A_302 = arith.constant 16 : i32
      %mul3A_303 = arith.muli %scan3A_207, %mul3A_302 : i32
      %swap3A_304 = arith.constant 13 : i32
      %swap3A_305 = arith.index_cast %swap3A_304 : i32 to index
      %swap3A_306 = arith.index_cast %mul3A_303 : i32 to index
      %swap3A_307 = tpu.vector_load %arg8[%swap3A_305, %swap3A_306] {strides = array<i32>} : memref<16x1024xf32, #tpu.memory_space<vmem>>, vector<16xf32>,
      tpu.vector_store %arg8[%swap3A_305, %swap3A_306], %gather3A_301 {strides = array<i32>} : memref<16x1024xf32, #tpu.memory_space<vmem>>, vector<16xf32>,
      %gather3A_308 = tpu.vector_load_idx %arg5[%broadcast_in_dim3A_79, %get3A_211] : memref<64x1024xf32, #tpu.memory_space<vmem>>[vector<16xi32>, vector<16xi32>], vector<16xf32>,
      %mul3A_309 = arith.constant 16 : i32
      %mul3A_310 = arith.muli %scan3A_207, %mul3A_309 : i32
      %swap3A_311 = arith.constant 14 : i32
      %swap3A_312 = arith.index_cast %swap3A_311 : i32 to index
      %swap3A_313 = arith.index_cast %mul3A_310 : i32 to index
      %swap3A_314 = tpu.vector_load %arg8[%swap3A_312, %swap3A_313] {strides = array<i32>} : memref<16x1024xf32, #tpu.memory_space<vmem>>, vector<16xf32>,
      tpu.vector_store %arg8[%swap3A_312, %swap3A_313], %gather3A_308 {strides = array<i32>} : memref<16x1024xf32, #tpu.memory_space<vmem>>, vector<16xf32>,
      %gather3A_315 = tpu.vector_load_idx %arg5[%broadcast_in_dim3A_81, %get3A_211] : memref<64x1024xf32, #tpu.memory_space<vmem>>[vector<16xi32>, vector<16xi32>], vector<16xf32>,
      %mul3A_316 = arith.constant 16 : i32
      %mul3A_317 = arith.muli %scan3A_207, %mul3A_316 : i32
      %swap3A_318 = arith.constant 15 : i32
      %swap3A_319 = arith.index_cast %swap3A_318 : i32 to index
      %swap3A_320 = arith.index_cast %mul3A_317 : i32 to index
      %swap3A_321 = tpu.vector_load %arg8[%swap3A_319, %swap3A_320] {strides = array<i32>} : memref<16x1024xf32, #tpu.memory_space<vmem>>, vector<16xf32>,
      tpu.vector_store %arg8[%swap3A_319, %swap3A_320], %gather3A_315 {strides = array<i32>} : memref<16x1024xf32, #tpu.memory_space<vmem>>, vector<16xf32>,
      %scan3A_322 = arith.constant 0 : i32
      scf.yield %scan3A_322 : i32
    }
    %scan3A_88 = arith.constant 64 : i32
    %mul3A_89 = arith.constant 64 : i32
    %mul3A_90 = arith.muli %add3A, %mul3A_89 : i32
    %add3A_91 = arith.constant 16 : i32
    %add3A_92 = arith.addi %mul3A_90, %add3A_91 : i32
    %dma_start3A_93 = arith.constant 0 : i32
    %dma_start3A_94 = tpu.memref_slice %arg4[%add3A_92, %dma_start3A_93] : memref<2048x1024xf32, #tpu.memory_space<hbm>> -> memref<16x1024xf32, #tpu.memory_space<hbm>>
    %dma_start3A_95 = arith.constant 0 : i32
    %dma_start3A_96 = tpu.memref_slice %arg4[%add3A_92, %dma_start3A_95] : memref<2048x1024xf32, #tpu.memory_space<hbm>> -> memref<16x1024xf32, #tpu.memory_space<hbm>>
    tpu.enqueue_dma source(%arg8 : memref<16x1024xf32, #tpu.memory_space<vmem>>) target(%dma_start3A_96 : memref<16x1024xf32, #tpu.memory_space<hbm>>) target_semaphore(%arg11 : memref<!tpu.dma_semaphore, #tpu.memory_space<semaphore_mem>>)
    %dma_wait3A_97 = arith.constant 0 : i32
    %dma_wait3A_98 = tpu.memref_slice %arg4[%add3A_45, %dma_wait3A_97] : memref<2048x1024xf32, #tpu.memory_space<hbm>> -> memref<16x1024xf32, #tpu.memory_space<hbm>>
    %dma_wait3A_99 = arith.constant 0 : i32
    %dma_wait3A_100 = tpu.memref_slice %arg4[%add3A_45, %dma_wait3A_99] : memref<2048x1024xf32, #tpu.memory_space<hbm>> -> memref<16x1024xf32, #tpu.memory_space<hbm>>
    tpu.wait_dma2 semaphore(%arg10 : memref<!tpu.dma_semaphore, #tpu.memory_space<semaphore_mem>>) src(%arg7 : memref<16x1024xf32, #tpu.memory_space<vmem>>) dst(%dma_wait3A_100 : memref<16x1024xf32, #tpu.memory_space<hbm>>)
    %broadcast_in_dim3A_101 = arith.constant 32 : i32
    %broadcast_in_dim3A_102 = vector.broadcast %broadcast_in_dim3A_101 : i32 to vector<16xi32>
    %broadcast_in_dim3A_103 = arith.constant 33 : i32
    %broadcast_in_dim3A_104 = vector.broadcast %broadcast_in_dim3A_103 : i32 to vector<16xi32>
    %broadcast_in_dim3A_105 = arith.constant 34 : i32
    %broadcast_in_dim3A_106 = vector.broadcast %broadcast_in_dim3A_105 : i32 to vector<16xi32>
    %broadcast_in_dim3A_107 = arith.constant 35 : i32
    %broadcast_in_dim3A_108 = vector.broadcast %broadcast_in_dim3A_107 : i32 to vector<16xi32>
    %broadcast_in_dim3A_109 = arith.constant 36 : i32
    %broadcast_in_dim3A_110 = vector.broadcast %broadcast_in_dim3A_109 : i32 to vector<16xi32>
    %broadcast_in_dim3A_111 = arith.constant 37 : i32
    %broadcast_in_dim3A_112 = vector.broadcast %broadcast_in_dim3A_111 : i32 to vector<16xi32>
    %broadcast_in_dim3A_113 = arith.constant 38 : i32
    %broadcast_in_dim3A_114 = vector.broadcast %broadcast_in_dim3A_113 : i32 to vector<16xi32>
    %broadcast_in_dim3A_115 = arith.constant 39 : i32
    %broadcast_in_dim3A_116 = vector.broadcast %broadcast_in_dim3A_115 : i32 to vector<16xi32>
    %broadcast_in_dim3A_117 = arith.constant 40 : i32
    %broadcast_in_dim3A_118 = vector.broadcast %broadcast_in_dim3A_117 : i32 to vector<16xi32>
    %broadcast_in_dim3A_119 = arith.constant 41 : i32
    %broadcast_in_dim3A_120 = vector.broadcast %broadcast_in_dim3A_119 : i32 to vector<16xi32>
    %broadcast_in_dim3A_121 = arith.constant 42 : i32
    %broadcast_in_dim3A_122 = vector.broadcast %broadcast_in_dim3A_121 : i32 to vector<16xi32>
    %broadcast_in_dim3A_123 = arith.constant 43 : i32
    %broadcast_in_dim3A_124 = vector.broadcast %broadcast_in_dim3A_123 : i32 to vector<16xi32>
    %broadcast_in_dim3A_125 = arith.constant 44 : i32
    %broadcast_in_dim3A_126 = vector.broadcast %broadcast_in_dim3A_125 : i32 to vector<16xi32>
    %broadcast_in_dim3A_127 = arith.constant 45 : i32
    %broadcast_in_dim3A_128 = vector.broadcast %broadcast_in_dim3A_127 : i32 to vector<16xi32>
    %broadcast_in_dim3A_129 = arith.constant 46 : i32
    %broadcast_in_dim3A_130 = vector.broadcast %broadcast_in_dim3A_129 : i32 to vector<16xi32>
    %broadcast_in_dim3A_131 = arith.constant 47 : i32
    %broadcast_in_dim3A_132 = vector.broadcast %broadcast_in_dim3A_131 : i32 to vector<16xi32>
    %scan3A_133 = arith.constant 0 : i32
    %scan3A_134 = arith.constant 0 : i32
    %scan3A_135 = arith.constant 64 : i32
    %scan3A_136 = arith.addi %scan3A_134, %scan3A_135 : i32
    %scan3A_137 = arith.constant 1 : i32
    %scan3A_138 = scf.for %scan3A_207 = %scan3A_134 to %scan3A_136 step %scan3A_137 iter_args(%scan3A_208 = %scan3A_133) -> (i32)  : i32 {
      %mul3A_209 = arith.constant 16 : i32
      %mul3A_210 = arith.muli %scan3A_207, %mul3A_209 : i32
      %get3A = arith.index_cast %mul3A_210 : i32 to index
      %get3A_211 = tpu.vector_load %arg6[%get3A] {strides = array<i32>} : memref<1024xi32, #tpu.memory_space<vmem>>, vector<16xi32>,
      %gather3A = tpu.vector_load_idx %arg5[%broadcast_in_dim3A_102, %get3A_211] : memref<64x1024xf32, #tpu.memory_space<vmem>>[vector<16xi32>, vector<16xi32>], vector<16xf32>,
      %mul3A_212 = arith.constant 16 : i32
      %mul3A_213 = arith.muli %scan3A_207, %mul3A_212 : i32
      %swap3A = arith.constant 0 : i32
      %swap3A_214 = arith.index_cast %swap3A : i32 to index
      %swap3A_215 = arith.index_cast %mul3A_213 : i32 to index
      %swap3A_216 = tpu.vector_load %arg7[%swap3A_214, %swap3A_215] {strides = array<i32>} : memref<16x1024xf32, #tpu.memory_space<vmem>>, vector<16xf32>,
      tpu.vector_store %arg7[%swap3A_214, %swap3A_215], %gather3A {strides = array<i32>} : memref<16x1024xf32, #tpu.memory_space<vmem>>, vector<16xf32>,
      %gather3A_217 = tpu.vector_load_idx %arg5[%broadcast_in_dim3A_104, %get3A_211] : memref<64x1024xf32, #tpu.memory_space<vmem>>[vector<16xi32>, vector<16xi32>], vector<16xf32>,
      %mul3A_218 = arith.constant 16 : i32
      %mul3A_219 = arith.muli %scan3A_207, %mul3A_218 : i32
      %swap3A_220 = arith.constant 1 : i32
      %swap3A_221 = arith.index_cast %swap3A_220 : i32 to index
      %swap3A_222 = arith.index_cast %mul3A_219 : i32 to index
      %swap3A_223 = tpu.vector_load %arg7[%swap3A_221, %swap3A_222] {strides = array<i32>} : memref<16x1024xf32, #tpu.memory_space<vmem>>, vector<16xf32>,
      tpu.vector_store %arg7[%swap3A_221, %swap3A_222], %gather3A_217 {strides = array<i32>} : memref<16x1024xf32, #tpu.memory_space<vmem>>, vector<16xf32>,
      %gather3A_224 = tpu.vector_load_idx %arg5[%broadcast_in_dim3A_106, %get3A_211] : memref<64x1024xf32, #tpu.memory_space<vmem>>[vector<16xi32>, vector<16xi32>], vector<16xf32>,
      %mul3A_225 = arith.constant 16 : i32
      %mul3A_226 = arith.muli %scan3A_207, %mul3A_225 : i32
      %swap3A_227 = arith.constant 2 : i32
      %swap3A_228 = arith.index_cast %swap3A_227 : i32 to index
      %swap3A_229 = arith.index_cast %mul3A_226 : i32 to index
      %swap3A_230 = tpu.vector_load %arg7[%swap3A_228, %swap3A_229] {strides = array<i32>} : memref<16x1024xf32, #tpu.memory_space<vmem>>, vector<16xf32>,
      tpu.vector_store %arg7[%swap3A_228, %swap3A_229], %gather3A_224 {strides = array<i32>} : memref<16x1024xf32, #tpu.memory_space<vmem>>, vector<16xf32>,
      %gather3A_231 = tpu.vector_load_idx %arg5[%broadcast_in_dim3A_108, %get3A_211] : memref<64x1024xf32, #tpu.memory_space<vmem>>[vector<16xi32>, vector<16xi32>], vector<16xf32>,
      %mul3A_232 = arith.constant 16 : i32
      %mul3A_233 = arith.muli %scan3A_207, %mul3A_232 : i32
      %swap3A_234 = arith.constant 3 : i32
      %swap3A_235 = arith.index_cast %swap3A_234 : i32 to index
      %swap3A_236 = arith.index_cast %mul3A_233 : i32 to index
      %swap3A_237 = tpu.vector_load %arg7[%swap3A_235, %swap3A_236] {strides = array<i32>} : memref<16x1024xf32, #tpu.memory_space<vmem>>, vector<16xf32>,
      tpu.vector_store %arg7[%swap3A_235, %swap3A_236], %gather3A_231 {strides = array<i32>} : memref<16x1024xf32, #tpu.memory_space<vmem>>, vector<16xf32>,
      %gather3A_238 = tpu.vector_load_idx %arg5[%broadcast_in_dim3A_110, %get3A_211] : memref<64x1024xf32, #tpu.memory_space<vmem>>[vector<16xi32>, vector<16xi32>], vector<16xf32>,
      %mul3A_239 = arith.constant 16 : i32
      %mul3A_240 = arith.muli %scan3A_207, %mul3A_239 : i32
      %swap3A_241 = arith.constant 4 : i32
      %swap3A_242 = arith.index_cast %swap3A_241 : i32 to index
      %swap3A_243 = arith.index_cast %mul3A_240 : i32 to index
      %swap3A_244 = tpu.vector_load %arg7[%swap3A_242, %swap3A_243] {strides = array<i32>} : memref<16x1024xf32, #tpu.memory_space<vmem>>, vector<16xf32>,
      tpu.vector_store %arg7[%swap3A_242, %swap3A_243], %gather3A_238 {strides = array<i32>} : memref<16x1024xf32, #tpu.memory_space<vmem>>, vector<16xf32>,
      %gather3A_245 = tpu.vector_load_idx %arg5[%broadcast_in_dim3A_112, %get3A_211] : memref<64x1024xf32, #tpu.memory_space<vmem>>[vector<16xi32>, vector<16xi32>], vector<16xf32>,
      %mul3A_246 = arith.constant 16 : i32
      %mul3A_247 = arith.muli %scan3A_207, %mul3A_246 : i32
      %swap3A_248 = arith.constant 5 : i32
      %swap3A_249 = arith.index_cast %swap3A_248 : i32 to index
      %swap3A_250 = arith.index_cast %mul3A_247 : i32 to index
      %swap3A_251 = tpu.vector_load %arg7[%swap3A_249, %swap3A_250] {strides = array<i32>} : memref<16x1024xf32, #tpu.memory_space<vmem>>, vector<16xf32>,
      tpu.vector_store %arg7[%swap3A_249, %swap3A_250], %gather3A_245 {strides = array<i32>} : memref<16x1024xf32, #tpu.memory_space<vmem>>, vector<16xf32>,
      %gather3A_252 = tpu.vector_load_idx %arg5[%broadcast_in_dim3A_114, %get3A_211] : memref<64x1024xf32, #tpu.memory_space<vmem>>[vector<16xi32>, vector<16xi32>], vector<16xf32>,
      %mul3A_253 = arith.constant 16 : i32
      %mul3A_254 = arith.muli %scan3A_207, %mul3A_253 : i32
      %swap3A_255 = arith.constant 6 : i32
      %swap3A_256 = arith.index_cast %swap3A_255 : i32 to index
      %swap3A_257 = arith.index_cast %mul3A_254 : i32 to index
      %swap3A_258 = tpu.vector_load %arg7[%swap3A_256, %swap3A_257] {strides = array<i32>} : memref<16x1024xf32, #tpu.memory_space<vmem>>, vector<16xf32>,
      tpu.vector_store %arg7[%swap3A_256, %swap3A_257], %gather3A_252 {strides = array<i32>} : memref<16x1024xf32, #tpu.memory_space<vmem>>, vector<16xf32>,
      %gather3A_259 = tpu.vector_load_idx %arg5[%broadcast_in_dim3A_116, %get3A_211] : memref<64x1024xf32, #tpu.memory_space<vmem>>[vector<16xi32>, vector<16xi32>], vector<16xf32>,
      %mul3A_260 = arith.constant 16 : i32
      %mul3A_261 = arith.muli %scan3A_207, %mul3A_260 : i32
      %swap3A_262 = arith.constant 7 : i32
      %swap3A_263 = arith.index_cast %swap3A_262 : i32 to index
      %swap3A_264 = arith.index_cast %mul3A_261 : i32 to index
      %swap3A_265 = tpu.vector_load %arg7[%swap3A_263, %swap3A_264] {strides = array<i32>} : memref<16x1024xf32, #tpu.memory_space<vmem>>, vector<16xf32>,
      tpu.vector_store %arg7[%swap3A_263, %swap3A_264], %gather3A_259 {strides = array<i32>} : memref<16x1024xf32, #tpu.memory_space<vmem>>, vector<16xf32>,
      %gather3A_266 = tpu.vector_load_idx %arg5[%broadcast_in_dim3A_118, %get3A_211] : memref<64x1024xf32, #tpu.memory_space<vmem>>[vector<16xi32>, vector<16xi32>], vector<16xf32>,
      %mul3A_267 = arith.constant 16 : i32
      %mul3A_268 = arith.muli %scan3A_207, %mul3A_267 : i32
      %swap3A_269 = arith.constant 8 : i32
      %swap3A_270 = arith.index_cast %swap3A_269 : i32 to index
      %swap3A_271 = arith.index_cast %mul3A_268 : i32 to index
      %swap3A_272 = tpu.vector_load %arg7[%swap3A_270, %swap3A_271] {strides = array<i32>} : memref<16x1024xf32, #tpu.memory_space<vmem>>, vector<16xf32>,
      tpu.vector_store %arg7[%swap3A_270, %swap3A_271], %gather3A_266 {strides = array<i32>} : memref<16x1024xf32, #tpu.memory_space<vmem>>, vector<16xf32>,
      %gather3A_273 = tpu.vector_load_idx %arg5[%broadcast_in_dim3A_120, %get3A_211] : memref<64x1024xf32, #tpu.memory_space<vmem>>[vector<16xi32>, vector<16xi32>], vector<16xf32>,
      %mul3A_274 = arith.constant 16 : i32
      %mul3A_275 = arith.muli %scan3A_207, %mul3A_274 : i32
      %swap3A_276 = arith.constant 9 : i32
      %swap3A_277 = arith.index_cast %swap3A_276 : i32 to index
      %swap3A_278 = arith.index_cast %mul3A_275 : i32 to index
      %swap3A_279 = tpu.vector_load %arg7[%swap3A_277, %swap3A_278] {strides = array<i32>} : memref<16x1024xf32, #tpu.memory_space<vmem>>, vector<16xf32>,
      tpu.vector_store %arg7[%swap3A_277, %swap3A_278], %gather3A_273 {strides = array<i32>} : memref<16x1024xf32, #tpu.memory_space<vmem>>, vector<16xf32>,
      %gather3A_280 = tpu.vector_load_idx %arg5[%broadcast_in_dim3A_122, %get3A_211] : memref<64x1024xf32, #tpu.memory_space<vmem>>[vector<16xi32>, vector<16xi32>], vector<16xf32>,
      %mul3A_281 = arith.constant 16 : i32
      %mul3A_282 = arith.muli %scan3A_207, %mul3A_281 : i32
      %swap3A_283 = arith.constant 10 : i32
      %swap3A_284 = arith.index_cast %swap3A_283 : i32 to index
      %swap3A_285 = arith.index_cast %mul3A_282 : i32 to index
      %swap3A_286 = tpu.vector_load %arg7[%swap3A_284, %swap3A_285] {strides = array<i32>} : memref<16x1024xf32, #tpu.memory_space<vmem>>, vector<16xf32>,
      tpu.vector_store %arg7[%swap3A_284, %swap3A_285], %gather3A_280 {strides = array<i32>} : memref<16x1024xf32, #tpu.memory_space<vmem>>, vector<16xf32>,
      %gather3A_287 = tpu.vector_load_idx %arg5[%broadcast_in_dim3A_124, %get3A_211] : memref<64x1024xf32, #tpu.memory_space<vmem>>[vector<16xi32>, vector<16xi32>], vector<16xf32>,
      %mul3A_288 = arith.constant 16 : i32
      %mul3A_289 = arith.muli %scan3A_207, %mul3A_288 : i32
      %swap3A_290 = arith.constant 11 : i32
      %swap3A_291 = arith.index_cast %swap3A_290 : i32 to index
      %swap3A_292 = arith.index_cast %mul3A_289 : i32 to index
      %swap3A_293 = tpu.vector_load %arg7[%swap3A_291, %swap3A_292] {strides = array<i32>} : memref<16x1024xf32, #tpu.memory_space<vmem>>, vector<16xf32>,
      tpu.vector_store %arg7[%swap3A_291, %swap3A_292], %gather3A_287 {strides = array<i32>} : memref<16x1024xf32, #tpu.memory_space<vmem>>, vector<16xf32>,
      %gather3A_294 = tpu.vector_load_idx %arg5[%broadcast_in_dim3A_126, %get3A_211] : memref<64x1024xf32, #tpu.memory_space<vmem>>[vector<16xi32>, vector<16xi32>], vector<16xf32>,
      %mul3A_295 = arith.constant 16 : i32
      %mul3A_296 = arith.muli %scan3A_207, %mul3A_295 : i32
      %swap3A_297 = arith.constant 12 : i32
      %swap3A_298 = arith.index_cast %swap3A_297 : i32 to index
      %swap3A_299 = arith.index_cast %mul3A_296 : i32 to index
      %swap3A_300 = tpu.vector_load %arg7[%swap3A_298, %swap3A_299] {strides = array<i32>} : memref<16x1024xf32, #tpu.memory_space<vmem>>, vector<16xf32>,
      tpu.vector_store %arg7[%swap3A_298, %swap3A_299], %gather3A_294 {strides = array<i32>} : memref<16x1024xf32, #tpu.memory_space<vmem>>, vector<16xf32>,
      %gather3A_301 = tpu.vector_load_idx %arg5[%broadcast_in_dim3A_128, %get3A_211] : memref<64x1024xf32, #tpu.memory_space<vmem>>[vector<16xi32>, vector<16xi32>], vector<16xf32>,
      %mul3A_302 = arith.constant 16 : i32
      %mul3A_303 = arith.muli %scan3A_207, %mul3A_302 : i32
      %swap3A_304 = arith.constant 13 : i32
      %swap3A_305 = arith.index_cast %swap3A_304 : i32 to index
      %swap3A_306 = arith.index_cast %mul3A_303 : i32 to index
      %swap3A_307 = tpu.vector_load %arg7[%swap3A_305, %swap3A_306] {strides = array<i32>} : memref<16x1024xf32, #tpu.memory_space<vmem>>, vector<16xf32>,
      tpu.vector_store %arg7[%swap3A_305, %swap3A_306], %gather3A_301 {strides = array<i32>} : memref<16x1024xf32, #tpu.memory_space<vmem>>, vector<16xf32>,
      %gather3A_308 = tpu.vector_load_idx %arg5[%broadcast_in_dim3A_130, %get3A_211] : memref<64x1024xf32, #tpu.memory_space<vmem>>[vector<16xi32>, vector<16xi32>], vector<16xf32>,
      %mul3A_309 = arith.constant 16 : i32
      %mul3A_310 = arith.muli %scan3A_207, %mul3A_309 : i32
      %swap3A_311 = arith.constant 14 : i32
      %swap3A_312 = arith.index_cast %swap3A_311 : i32 to index
      %swap3A_313 = arith.index_cast %mul3A_310 : i32 to index
      %swap3A_314 = tpu.vector_load %arg7[%swap3A_312, %swap3A_313] {strides = array<i32>} : memref<16x1024xf32, #tpu.memory_space<vmem>>, vector<16xf32>,
      tpu.vector_store %arg7[%swap3A_312, %swap3A_313], %gather3A_308 {strides = array<i32>} : memref<16x1024xf32, #tpu.memory_space<vmem>>, vector<16xf32>,
      %gather3A_315 = tpu.vector_load_idx %arg5[%broadcast_in_dim3A_132, %get3A_211] : memref<64x1024xf32, #tpu.memory_space<vmem>>[vector<16xi32>, vector<16xi32>], vector<16xf32>,
      %mul3A_316 = arith.constant 16 : i32
      %mul3A_317 = arith.muli %scan3A_207, %mul3A_316 : i32
      %swap3A_318 = arith.constant 15 : i32
      %swap3A_319 = arith.index_cast %swap3A_318 : i32 to index
      %swap3A_320 = arith.index_cast %mul3A_317 : i32 to index
      %swap3A_321 = tpu.vector_load %arg7[%swap3A_319, %swap3A_320] {strides = array<i32>} : memref<16x1024xf32, #tpu.memory_space<vmem>>, vector<16xf32>,
      tpu.vector_store %arg7[%swap3A_319, %swap3A_320], %gather3A_315 {strides = array<i32>} : memref<16x1024xf32, #tpu.memory_space<vmem>>, vector<16xf32>,
      %scan3A_322 = arith.constant 0 : i32
      scf.yield %scan3A_322 : i32
    }
    %scan3A_139 = arith.constant 64 : i32
    %mul3A_140 = arith.constant 64 : i32
    %mul3A_141 = arith.muli %add3A, %mul3A_140 : i32
    %add3A_142 = arith.constant 32 : i32
    %add3A_143 = arith.addi %mul3A_141, %add3A_142 : i32
    %dma_start3A_144 = arith.constant 0 : i32
    %dma_start3A_145 = tpu.memref_slice %arg4[%add3A_143, %dma_start3A_144] : memref<2048x1024xf32, #tpu.memory_space<hbm>> -> memref<16x1024xf32, #tpu.memory_space<hbm>>
    %dma_start3A_146 = arith.constant 0 : i32
    %dma_start3A_147 = tpu.memref_slice %arg4[%add3A_143, %dma_start3A_146] : memref<2048x1024xf32, #tpu.memory_space<hbm>> -> memref<16x1024xf32, #tpu.memory_space<hbm>>
    tpu.enqueue_dma source(%arg7 : memref<16x1024xf32, #tpu.memory_space<vmem>>) target(%dma_start3A_147 : memref<16x1024xf32, #tpu.memory_space<hbm>>) target_semaphore(%arg10 : memref<!tpu.dma_semaphore, #tpu.memory_space<semaphore_mem>>)
    %dma_wait3A_148 = arith.constant 0 : i32
    %dma_wait3A_149 = tpu.memref_slice %arg4[%add3A_92, %dma_wait3A_148] : memref<2048x1024xf32, #tpu.memory_space<hbm>> -> memref<16x1024xf32, #tpu.memory_space<hbm>>
    %dma_wait3A_150 = arith.constant 0 : i32
    %dma_wait3A_151 = tpu.memref_slice %arg4[%add3A_92, %dma_wait3A_150] : memref<2048x1024xf32, #tpu.memory_space<hbm>> -> memref<16x1024xf32, #tpu.memory_space<hbm>>
    tpu.wait_dma2 semaphore(%arg11 : memref<!tpu.dma_semaphore, #tpu.memory_space<semaphore_mem>>) src(%arg8 : memref<16x1024xf32, #tpu.memory_space<vmem>>) dst(%dma_wait3A_151 : memref<16x1024xf32, #tpu.memory_space<hbm>>)
    %broadcast_in_dim3A_152 = arith.constant 48 : i32
    %broadcast_in_dim3A_153 = vector.broadcast %broadcast_in_dim3A_152 : i32 to vector<16xi32>
    %broadcast_in_dim3A_154 = arith.constant 49 : i32
    %broadcast_in_dim3A_155 = vector.broadcast %broadcast_in_dim3A_154 : i32 to vector<16xi32>
    %broadcast_in_dim3A_156 = arith.constant 50 : i32
    %broadcast_in_dim3A_157 = vector.broadcast %broadcast_in_dim3A_156 : i32 to vector<16xi32>
    %broadcast_in_dim3A_158 = arith.constant 51 : i32
    %broadcast_in_dim3A_159 = vector.broadcast %broadcast_in_dim3A_158 : i32 to vector<16xi32>
    %broadcast_in_dim3A_160 = arith.constant 52 : i32
    %broadcast_in_dim3A_161 = vector.broadcast %broadcast_in_dim3A_160 : i32 to vector<16xi32>
    %broadcast_in_dim3A_162 = arith.constant 53 : i32
    %broadcast_in_dim3A_163 = vector.broadcast %broadcast_in_dim3A_162 : i32 to vector<16xi32>
    %broadcast_in_dim3A_164 = arith.constant 54 : i32
    %broadcast_in_dim3A_165 = vector.broadcast %broadcast_in_dim3A_164 : i32 to vector<16xi32>
    %broadcast_in_dim3A_166 = arith.constant 55 : i32
    %broadcast_in_dim3A_167 = vector.broadcast %broadcast_in_dim3A_166 : i32 to vector<16xi32>
    %broadcast_in_dim3A_168 = arith.constant 56 : i32
    %broadcast_in_dim3A_169 = vector.broadcast %broadcast_in_dim3A_168 : i32 to vector<16xi32>
    %broadcast_in_dim3A_170 = arith.constant 57 : i32
    %broadcast_in_dim3A_171 = vector.broadcast %broadcast_in_dim3A_170 : i32 to vector<16xi32>
    %broadcast_in_dim3A_172 = arith.constant 58 : i32
    %broadcast_in_dim3A_173 = vector.broadcast %broadcast_in_dim3A_172 : i32 to vector<16xi32>
    %broadcast_in_dim3A_174 = arith.constant 59 : i32
    %broadcast_in_dim3A_175 = vector.broadcast %broadcast_in_dim3A_174 : i32 to vector<16xi32>
    %broadcast_in_dim3A_176 = arith.constant 60 : i32
    %broadcast_in_dim3A_177 = vector.broadcast %broadcast_in_dim3A_176 : i32 to vector<16xi32>
    %broadcast_in_dim3A_178 = arith.constant 61 : i32
    %broadcast_in_dim3A_179 = vector.broadcast %broadcast_in_dim3A_178 : i32 to vector<16xi32>
    %broadcast_in_dim3A_180 = arith.constant 62 : i32
    %broadcast_in_dim3A_181 = vector.broadcast %broadcast_in_dim3A_180 : i32 to vector<16xi32>
    %broadcast_in_dim3A_182 = arith.constant 63 : i32
    %broadcast_in_dim3A_183 = vector.broadcast %broadcast_in_dim3A_182 : i32 to vector<16xi32>
    %scan3A_184 = arith.constant 0 : i32
    %scan3A_185 = arith.constant 0 : i32
    %scan3A_186 = arith.constant 64 : i32
    %scan3A_187 = arith.addi %scan3A_185, %scan3A_186 : i32
    %scan3A_188 = arith.constant 1 : i32
    %scan3A_189 = scf.for %scan3A_207 = %scan3A_185 to %scan3A_187 step %scan3A_188 iter_args(%scan3A_208 = %scan3A_184) -> (i32)  : i32 {
      %mul3A_209 = arith.constant 16 : i32
      %mul3A_210 = arith.muli %scan3A_207, %mul3A_209 : i32
      %get3A = arith.index_cast %mul3A_210 : i32 to index
      %get3A_211 = tpu.vector_load %arg6[%get3A] {strides = array<i32>} : memref<1024xi32, #tpu.memory_space<vmem>>, vector<16xi32>,
      %gather3A = tpu.vector_load_idx %arg5[%broadcast_in_dim3A_153, %get3A_211] : memref<64x1024xf32, #tpu.memory_space<vmem>>[vector<16xi32>, vector<16xi32>], vector<16xf32>,
      %mul3A_212 = arith.constant 16 : i32
      %mul3A_213 = arith.muli %scan3A_207, %mul3A_212 : i32
      %swap3A = arith.constant 0 : i32
      %swap3A_214 = arith.index_cast %swap3A : i32 to index
      %swap3A_215 = arith.index_cast %mul3A_213 : i32 to index
      %swap3A_216 = tpu.vector_load %arg8[%swap3A_214, %swap3A_215] {strides = array<i32>} : memref<16x1024xf32, #tpu.memory_space<vmem>>, vector<16xf32>,
      tpu.vector_store %arg8[%swap3A_214, %swap3A_215], %gather3A {strides = array<i32>} : memref<16x1024xf32, #tpu.memory_space<vmem>>, vector<16xf32>,
      %gather3A_217 = tpu.vector_load_idx %arg5[%broadcast_in_dim3A_155, %get3A_211] : memref<64x1024xf32, #tpu.memory_space<vmem>>[vector<16xi32>, vector<16xi32>], vector<16xf32>,
      %mul3A_218 = arith.constant 16 : i32
      %mul3A_219 = arith.muli %scan3A_207, %mul3A_218 : i32
      %swap3A_220 = arith.constant 1 : i32
      %swap3A_221 = arith.index_cast %swap3A_220 : i32 to index
      %swap3A_222 = arith.index_cast %mul3A_219 : i32 to index
      %swap3A_223 = tpu.vector_load %arg8[%swap3A_221, %swap3A_222] {strides = array<i32>} : memref<16x1024xf32, #tpu.memory_space<vmem>>, vector<16xf32>,
      tpu.vector_store %arg8[%swap3A_221, %swap3A_222], %gather3A_217 {strides = array<i32>} : memref<16x1024xf32, #tpu.memory_space<vmem>>, vector<16xf32>,
      %gather3A_224 = tpu.vector_load_idx %arg5[%broadcast_in_dim3A_157, %get3A_211] : memref<64x1024xf32, #tpu.memory_space<vmem>>[vector<16xi32>, vector<16xi32>], vector<16xf32>,
      %mul3A_225 = arith.constant 16 : i32
      %mul3A_226 = arith.muli %scan3A_207, %mul3A_225 : i32
      %swap3A_227 = arith.constant 2 : i32
      %swap3A_228 = arith.index_cast %swap3A_227 : i32 to index
      %swap3A_229 = arith.index_cast %mul3A_226 : i32 to index
      %swap3A_230 = tpu.vector_load %arg8[%swap3A_228, %swap3A_229] {strides = array<i32>} : memref<16x1024xf32, #tpu.memory_space<vmem>>, vector<16xf32>,
      tpu.vector_store %arg8[%swap3A_228, %swap3A_229], %gather3A_224 {strides = array<i32>} : memref<16x1024xf32, #tpu.memory_space<vmem>>, vector<16xf32>,
      %gather3A_231 = tpu.vector_load_idx %arg5[%broadcast_in_dim3A_159, %get3A_211] : memref<64x1024xf32, #tpu.memory_space<vmem>>[vector<16xi32>, vector<16xi32>], vector<16xf32>,
      %mul3A_232 = arith.constant 16 : i32
      %mul3A_233 = arith.muli %scan3A_207, %mul3A_232 : i32
      %swap3A_234 = arith.constant 3 : i32
      %swap3A_235 = arith.index_cast %swap3A_234 : i32 to index
      %swap3A_236 = arith.index_cast %mul3A_233 : i32 to index
      %swap3A_237 = tpu.vector_load %arg8[%swap3A_235, %swap3A_236] {strides = array<i32>} : memref<16x1024xf32, #tpu.memory_space<vmem>>, vector<16xf32>,
      tpu.vector_store %arg8[%swap3A_235, %swap3A_236], %gather3A_231 {strides = array<i32>} : memref<16x1024xf32, #tpu.memory_space<vmem>>, vector<16xf32>,
      %gather3A_238 = tpu.vector_load_idx %arg5[%broadcast_in_dim3A_161, %get3A_211] : memref<64x1024xf32, #tpu.memory_space<vmem>>[vector<16xi32>, vector<16xi32>], vector<16xf32>,
      %mul3A_239 = arith.constant 16 : i32
      %mul3A_240 = arith.muli %scan3A_207, %mul3A_239 : i32
      %swap3A_241 = arith.constant 4 : i32
      %swap3A_242 = arith.index_cast %swap3A_241 : i32 to index
      %swap3A_243 = arith.index_cast %mul3A_240 : i32 to index
      %swap3A_244 = tpu.vector_load %arg8[%swap3A_242, %swap3A_243] {strides = array<i32>} : memref<16x1024xf32, #tpu.memory_space<vmem>>, vector<16xf32>,
      tpu.vector_store %arg8[%swap3A_242, %swap3A_243], %gather3A_238 {strides = array<i32>} : memref<16x1024xf32, #tpu.memory_space<vmem>>, vector<16xf32>,
      %gather3A_245 = tpu.vector_load_idx %arg5[%broadcast_in_dim3A_163, %get3A_211] : memref<64x1024xf32, #tpu.memory_space<vmem>>[vector<16xi32>, vector<16xi32>], vector<16xf32>,
      %mul3A_246 = arith.constant 16 : i32
      %mul3A_247 = arith.muli %scan3A_207, %mul3A_246 : i32
      %swap3A_248 = arith.constant 5 : i32
      %swap3A_249 = arith.index_cast %swap3A_248 : i32 to index
      %swap3A_250 = arith.index_cast %mul3A_247 : i32 to index
      %swap3A_251 = tpu.vector_load %arg8[%swap3A_249, %swap3A_250] {strides = array<i32>} : memref<16x1024xf32, #tpu.memory_space<vmem>>, vector<16xf32>,
      tpu.vector_store %arg8[%swap3A_249, %swap3A_250], %gather3A_245 {strides = array<i32>} : memref<16x1024xf32, #tpu.memory_space<vmem>>, vector<16xf32>,
      %gather3A_252 = tpu.vector_load_idx %arg5[%broadcast_in_dim3A_165, %get3A_211] : memref<64x1024xf32, #tpu.memory_space<vmem>>[vector<16xi32>, vector<16xi32>], vector<16xf32>,
      %mul3A_253 = arith.constant 16 : i32
      %mul3A_254 = arith.muli %scan3A_207, %mul3A_253 : i32
      %swap3A_255 = arith.constant 6 : i32
      %swap3A_256 = arith.index_cast %swap3A_255 : i32 to index
      %swap3A_257 = arith.index_cast %mul3A_254 : i32 to index
      %swap3A_258 = tpu.vector_load %arg8[%swap3A_256, %swap3A_257] {strides = array<i32>} : memref<16x1024xf32, #tpu.memory_space<vmem>>, vector<16xf32>,
      tpu.vector_store %arg8[%swap3A_256, %swap3A_257], %gather3A_252 {strides = array<i32>} : memref<16x1024xf32, #tpu.memory_space<vmem>>, vector<16xf32>,
      %gather3A_259 = tpu.vector_load_idx %arg5[%broadcast_in_dim3A_167, %get3A_211] : memref<64x1024xf32, #tpu.memory_space<vmem>>[vector<16xi32>, vector<16xi32>], vector<16xf32>,
      %mul3A_260 = arith.constant 16 : i32
      %mul3A_261 = arith.muli %scan3A_207, %mul3A_260 : i32
      %swap3A_262 = arith.constant 7 : i32
      %swap3A_263 = arith.index_cast %swap3A_262 : i32 to index
      %swap3A_264 = arith.index_cast %mul3A_261 : i32 to index
      %swap3A_265 = tpu.vector_load %arg8[%swap3A_263, %swap3A_264] {strides = array<i32>} : memref<16x1024xf32, #tpu.memory_space<vmem>>, vector<16xf32>,
      tpu.vector_store %arg8[%swap3A_263, %swap3A_264], %gather3A_259 {strides = array<i32>} : memref<16x1024xf32, #tpu.memory_space<vmem>>, vector<16xf32>,
      %gather3A_266 = tpu.vector_load_idx %arg5[%broadcast_in_dim3A_169, %get3A_211] : memref<64x1024xf32, #tpu.memory_space<vmem>>[vector<16xi32>, vector<16xi32>], vector<16xf32>,
      %mul3A_267 = arith.constant 16 : i32
      %mul3A_268 = arith.muli %scan3A_207, %mul3A_267 : i32
      %swap3A_269 = arith.constant 8 : i32
      %swap3A_270 = arith.index_cast %swap3A_269 : i32 to index
      %swap3A_271 = arith.index_cast %mul3A_268 : i32 to index
      %swap3A_272 = tpu.vector_load %arg8[%swap3A_270, %swap3A_271] {strides = array<i32>} : memref<16x1024xf32, #tpu.memory_space<vmem>>, vector<16xf32>,
      tpu.vector_store %arg8[%swap3A_270, %swap3A_271], %gather3A_266 {strides = array<i32>} : memref<16x1024xf32, #tpu.memory_space<vmem>>, vector<16xf32>,
      %gather3A_273 = tpu.vector_load_idx %arg5[%broadcast_in_dim3A_171, %get3A_211] : memref<64x1024xf32, #tpu.memory_space<vmem>>[vector<16xi32>, vector<16xi32>], vector<16xf32>,
      %mul3A_274 = arith.constant 16 : i32
      %mul3A_275 = arith.muli %scan3A_207, %mul3A_274 : i32
      %swap3A_276 = arith.constant 9 : i32
      %swap3A_277 = arith.index_cast %swap3A_276 : i32 to index
      %swap3A_278 = arith.index_cast %mul3A_275 : i32 to index
      %swap3A_279 = tpu.vector_load %arg8[%swap3A_277, %swap3A_278] {strides = array<i32>} : memref<16x1024xf32, #tpu.memory_space<vmem>>, vector<16xf32>,
      tpu.vector_store %arg8[%swap3A_277, %swap3A_278], %gather3A_273 {strides = array<i32>} : memref<16x1024xf32, #tpu.memory_space<vmem>>, vector<16xf32>,
      %gather3A_280 = tpu.vector_load_idx %arg5[%broadcast_in_dim3A_173, %get3A_211] : memref<64x1024xf32, #tpu.memory_space<vmem>>[vector<16xi32>, vector<16xi32>], vector<16xf32>,
      %mul3A_281 = arith.constant 16 : i32
      %mul3A_282 = arith.muli %scan3A_207, %mul3A_281 : i32
      %swap3A_283 = arith.constant 10 : i32
      %swap3A_284 = arith.index_cast %swap3A_283 : i32 to index
      %swap3A_285 = arith.index_cast %mul3A_282 : i32 to index
      %swap3A_286 = tpu.vector_load %arg8[%swap3A_284, %swap3A_285] {strides = array<i32>} : memref<16x1024xf32, #tpu.memory_space<vmem>>, vector<16xf32>,
      tpu.vector_store %arg8[%swap3A_284, %swap3A_285], %gather3A_280 {strides = array<i32>} : memref<16x1024xf32, #tpu.memory_space<vmem>>, vector<16xf32>,
      %gather3A_287 = tpu.vector_load_idx %arg5[%broadcast_in_dim3A_175, %get3A_211] : memref<64x1024xf32, #tpu.memory_space<vmem>>[vector<16xi32>, vector<16xi32>], vector<16xf32>,
      %mul3A_288 = arith.constant 16 : i32
      %mul3A_289 = arith.muli %scan3A_207, %mul3A_288 : i32
      %swap3A_290 = arith.constant 11 : i32
      %swap3A_291 = arith.index_cast %swap3A_290 : i32 to index
      %swap3A_292 = arith.index_cast %mul3A_289 : i32 to index
      %swap3A_293 = tpu.vector_load %arg8[%swap3A_291, %swap3A_292] {strides = array<i32>} : memref<16x1024xf32, #tpu.memory_space<vmem>>, vector<16xf32>,
      tpu.vector_store %arg8[%swap3A_291, %swap3A_292], %gather3A_287 {strides = array<i32>} : memref<16x1024xf32, #tpu.memory_space<vmem>>, vector<16xf32>,
      %gather3A_294 = tpu.vector_load_idx %arg5[%broadcast_in_dim3A_177, %get3A_211] : memref<64x1024xf32, #tpu.memory_space<vmem>>[vector<16xi32>, vector<16xi32>], vector<16xf32>,
      %mul3A_295 = arith.constant 16 : i32
      %mul3A_296 = arith.muli %scan3A_207, %mul3A_295 : i32
      %swap3A_297 = arith.constant 12 : i32
      %swap3A_298 = arith.index_cast %swap3A_297 : i32 to index
      %swap3A_299 = arith.index_cast %mul3A_296 : i32 to index
      %swap3A_300 = tpu.vector_load %arg8[%swap3A_298, %swap3A_299] {strides = array<i32>} : memref<16x1024xf32, #tpu.memory_space<vmem>>, vector<16xf32>,
      tpu.vector_store %arg8[%swap3A_298, %swap3A_299], %gather3A_294 {strides = array<i32>} : memref<16x1024xf32, #tpu.memory_space<vmem>>, vector<16xf32>,
      %gather3A_301 = tpu.vector_load_idx %arg5[%broadcast_in_dim3A_179, %get3A_211] : memref<64x1024xf32, #tpu.memory_space<vmem>>[vector<16xi32>, vector<16xi32>], vector<16xf32>,
      %mul3A_302 = arith.constant 16 : i32
      %mul3A_303 = arith.muli %scan3A_207, %mul3A_302 : i32
      %swap3A_304 = arith.constant 13 : i32
      %swap3A_305 = arith.index_cast %swap3A_304 : i32 to index
      %swap3A_306 = arith.index_cast %mul3A_303 : i32 to index
      %swap3A_307 = tpu.vector_load %arg8[%swap3A_305, %swap3A_306] {strides = array<i32>} : memref<16x1024xf32, #tpu.memory_space<vmem>>, vector<16xf32>,
      tpu.vector_store %arg8[%swap3A_305, %swap3A_306], %gather3A_301 {strides = array<i32>} : memref<16x1024xf32, #tpu.memory_space<vmem>>, vector<16xf32>,
      %gather3A_308 = tpu.vector_load_idx %arg5[%broadcast_in_dim3A_181, %get3A_211] : memref<64x1024xf32, #tpu.memory_space<vmem>>[vector<16xi32>, vector<16xi32>], vector<16xf32>,
      %mul3A_309 = arith.constant 16 : i32
      %mul3A_310 = arith.muli %scan3A_207, %mul3A_309 : i32
      %swap3A_311 = arith.constant 14 : i32
      %swap3A_312 = arith.index_cast %swap3A_311 : i32 to index
      %swap3A_313 = arith.index_cast %mul3A_310 : i32 to index
      %swap3A_314 = tpu.vector_load %arg8[%swap3A_312, %swap3A_313] {strides = array<i32>} : memref<16x1024xf32, #tpu.memory_space<vmem>>, vector<16xf32>,
      tpu.vector_store %arg8[%swap3A_312, %swap3A_313], %gather3A_308 {strides = array<i32>} : memref<16x1024xf32, #tpu.memory_space<vmem>>, vector<16xf32>,
      %gather3A_315 = tpu.vector_load_idx %arg5[%broadcast_in_dim3A_183, %get3A_211] : memref<64x1024xf32, #tpu.memory_space<vmem>>[vector<16xi32>, vector<16xi32>], vector<16xf32>,
      %mul3A_316 = arith.constant 16 : i32
      %mul3A_317 = arith.muli %scan3A_207, %mul3A_316 : i32
      %swap3A_318 = arith.constant 15 : i32
      %swap3A_319 = arith.index_cast %swap3A_318 : i32 to index
      %swap3A_320 = arith.index_cast %mul3A_317 : i32 to index
      %swap3A_321 = tpu.vector_load %arg8[%swap3A_319, %swap3A_320] {strides = array<i32>} : memref<16x1024xf32, #tpu.memory_space<vmem>>, vector<16xf32>,
      tpu.vector_store %arg8[%swap3A_319, %swap3A_320], %gather3A_315 {strides = array<i32>} : memref<16x1024xf32, #tpu.memory_space<vmem>>, vector<16xf32>,
      %scan3A_322 = arith.constant 0 : i32
      scf.yield %scan3A_322 : i32
    }
    %scan3A_190 = arith.constant 64 : i32
    %mul3A_191 = arith.constant 64 : i32
    %mul3A_192 = arith.muli %add3A, %mul3A_191 : i32
    %add3A_193 = arith.constant 48 : i32
    %add3A_194 = arith.addi %mul3A_192, %add3A_193 : i32
    %dma_start3A_195 = arith.constant 0 : i32
    %dma_start3A_196 = tpu.memref_slice %arg4[%add3A_194, %dma_start3A_195] : memref<2048x1024xf32, #tpu.memory_space<hbm>> -> memref<16x1024xf32, #tpu.memory_space<hbm>>
    %dma_start3A_197 = arith.constant 0 : i32
    %dma_start3A_198 = tpu.memref_slice %arg4[%add3A_194, %dma_start3A_197] : memref<2048x1024xf32, #tpu.memory_space<hbm>> -> memref<16x1024xf32, #tpu.memory_space<hbm>>
    tpu.enqueue_dma source(%arg8 : memref<16x1024xf32, #tpu.memory_space<vmem>>) target(%dma_start3A_198 : memref<16x1024xf32, #tpu.memory_space<hbm>>) target_semaphore(%arg11 : memref<!tpu.dma_semaphore, #tpu.memory_space<semaphore_mem>>)
    %dma_wait3A_199 = arith.constant 0 : i32
    %dma_wait3A_200 = tpu.memref_slice %arg4[%add3A_143, %dma_wait3A_199] : memref<2048x1024xf32, #tpu.memory_space<hbm>> -> memref<16x1024xf32, #tpu.memory_space<hbm>>
    %dma_wait3A_201 = arith.constant 0 : i32
    %dma_wait3A_202 = tpu.memref_slice %arg4[%add3A_143, %dma_wait3A_201] : memref<2048x1024xf32, #tpu.memory_space<hbm>> -> memref<16x1024xf32, #tpu.memory_space<hbm>>
    tpu.wait_dma2 semaphore(%arg10 : memref<!tpu.dma_semaphore, #tpu.memory_space<semaphore_mem>>) src(%arg7 : memref<16x1024xf32, #tpu.memory_space<vmem>>) dst(%dma_wait3A_202 : memref<16x1024xf32, #tpu.memory_space<hbm>>)
    %dma_wait3A_203 = arith.constant 0 : i32
    %dma_wait3A_204 = tpu.memref_slice %arg4[%add3A_194, %dma_wait3A_203] : memref<2048x1024xf32, #tpu.memory_space<hbm>> -> memref<16x1024xf32, #tpu.memory_space<hbm>>
    %dma_wait3A_205 = arith.constant 0 : i32
    %dma_wait3A_206 = tpu.memref_slice %arg4[%add3A_194, %dma_wait3A_205] : memref<2048x1024xf32, #tpu.memory_space<hbm>> -> memref<16x1024xf32, #tpu.memory_space<hbm>>
    tpu.wait_dma2 semaphore(%arg11 : memref<!tpu.dma_semaphore, #tpu.memory_space<semaphore_mem>>) src(%arg8 : memref<16x1024xf32, #tpu.memory_space<vmem>>) dst(%dma_wait3A_206 : memref<16x1024xf32, #tpu.memory_space<hbm>>)
    return
  }
}

module attributes {stable_mosaic.version = 14 : i64} {
  func.func @_dist_argmin_body(%arg0: i32, %arg1: memref<64x1024xf32, #tpu.memory_space<vmem>>, %arg2: memref<1024x64xf32, #tpu.memory_space<vmem>>, %arg3: memref<1x1x1024xi32, #tpu.memory_space<vmem>>, %arg4: memref<1x1xf32, #tpu.memory_space<vmem>>) attributes {dimension_semantics = [#tpu.dimension_semantics<arbitrary>], iteration_bounds = array<i64: 32>, scalar_prefetch = 0 : i64, scratch_operands = 0 : i64, tpu.core_type = #tpu.core_type<tc>, window_params = [{transform_indices = @transform_0, window_bounds = array<i64: 64, 1024>}, {pipeline_mode = #tpu.pipeline_mode<synchronous>, transform_indices = @transform_1, window_bounds = array<i64: 1024, 64>}, {transform_indices = @transform_2, window_bounds = array<i64: 1, 1, 1024>}, {pipeline_mode = #tpu.pipeline_mode<synchronous>, transform_indices = @transform_3, window_bounds = array<i64: 1, 1>}]} {
    %get3A = arith.constant 0 : index
    %get3A_0 = arith.constant 0 : index
    %get3A_1 = vector.load %arg1[%get3A, %get3A_0] : memref<64x1024xf32, #tpu.memory_space<vmem>>, vector<64x1024xf32>
    %get3A_2 = arith.constant 0 : index
    %get3A_3 = arith.constant 0 : index
    %get3A_4 = vector.load %arg2[%get3A_2, %get3A_3] : memref<1024x64xf32, #tpu.memory_space<vmem>>, vector<1024x64xf32>
    %dot_general3A = arith.constant dense<0.000000e+00> : vector<1024x1024xf32>
    %dot_general3A_5 = tpu.matmul %get3A_4, %get3A_1, %dot_general3A {dimension_numbers = #tpu.dot_dimension_numbers<[1], [0], [0], [1], [0, 0, 1, 1], [], []>, transpose_lhs_hint = false} : vector<1024x64xf32>, vector<64x1024xf32>, vector<1024x1024xf32> -> vector<1024x1024xf32>
    %mul3A = arith.mulf %get3A_1, %get3A_1 : vector<64x1024xf32>
    %reduce_sum3A = arith.constant dense<0.000000e+00> : vector<1024xf32>
    %reduce_sum3A_6 = vector.multi_reduction <add>, %mul3A, %reduce_sum3A [0] : vector<64x1024xf32> to vector<1024xf32>
    %broadcast_in_dim3A = vector.shape_cast %reduce_sum3A_6 : vector<1024xf32> to vector<1x1024xf32>
    %mul3A_7 = arith.mulf %get3A_4, %get3A_4 : vector<1024x64xf32>
    %reduce_sum3A_8 = arith.constant dense<0.000000e+00> : vector<1024xf32>
    %reduce_sum3A_9 = vector.multi_reduction <add>, %mul3A_7, %reduce_sum3A_8 [1] : vector<1024x64xf32> to vector<1024xf32>
    %broadcast_in_dim3A_10 = vector.shape_cast %reduce_sum3A_9 : vector<1024xf32> to vector<1024x1xf32>
    %iota3A = tpu.iota {dimensions = array<i32: 0>} : vector<256x1024xi32>
    %convert_element_type3A = arith.sitofp %iota3A : vector<256x1024xi32> to vector<256x1024xf32>
    %slice3A = vector.extract_strided_slice %dot_general3A_5 {offsets = [0, 0], sizes = [256, 1024], strides = [1, 1]} : vector<1024x1024xf32> to vector<256x1024xf32>
    %mul3A_11 = arith.constant 2.000000e+00 : f32
    %mul3A_12 = vector.broadcast %mul3A_11 : f32 to vector<256x1024xf32>
    %mul3A_13 = arith.mulf %mul3A_12, %slice3A : vector<256x1024xf32>
    %sub3A = vector.broadcast %broadcast_in_dim3A : vector<1x1024xf32> to vector<256x1024xf32>
    %sub3A_14 = arith.subf %sub3A, %mul3A_13 : vector<256x1024xf32>
    %slice3A_15 = vector.extract_strided_slice %broadcast_in_dim3A_10 {offsets = [0, 0], sizes = [256, 1], strides = [1, 1]} : vector<1024x1xf32> to vector<256x1xf32>
    %add3A = vector.broadcast %slice3A_15 : vector<256x1xf32> to vector<256x1024xf32>
    %add3A_16 = arith.addf %sub3A_14, %add3A : vector<256x1024xf32>
    %reduce_min3A = arith.constant dense<0x7F800000> : vector<1024xf32>
    %reduce_min3A_17 = vector.multi_reduction <minimumf>, %add3A_16, %reduce_min3A [0] : vector<256x1024xf32> to vector<1024xf32>
    %broadcast_in_dim3A_18 = vector.shape_cast %reduce_min3A_17 : vector<1024xf32> to vector<1x1024xf32>
    %eq3A = vector.broadcast %broadcast_in_dim3A_18 : vector<1x1024xf32> to vector<256x1024xf32>
    %eq3A_19 = arith.cmpf oeq, %add3A_16, %eq3A : vector<256x1024xf32>
    %jit3A = arith.constant 2.000000e+09 : f32
    %broadcast_in_dim3A_20 = vector.broadcast %jit3A : f32 to vector<256x1024xf32>
    %select_n3A = arith.select %eq3A_19, %convert_element_type3A, %broadcast_in_dim3A_20 : vector<256x1024xi1>, vector<256x1024xf32>
    %reduce_min3A_21 = arith.constant dense<0x7F800000> : vector<1024xf32>
    %reduce_min3A_22 = vector.multi_reduction <minimumf>, %select_n3A, %reduce_min3A_21 [0] : vector<256x1024xf32> to vector<1024xf32>
    %broadcast_in_dim3A_23 = vector.shape_cast %reduce_min3A_22 : vector<1024xf32> to vector<1x1024xf32>
    %broadcast_in_dim3A_24 = arith.constant 0.000000e+00 : f32
    %broadcast_in_dim3A_25 = vector.broadcast %broadcast_in_dim3A_24 : f32 to vector<1x1024xf32>
    %slice3A_26 = vector.extract_strided_slice %dot_general3A_5 {offsets = [256, 0], sizes = [256, 1024], strides = [1, 1]} : vector<1024x1024xf32> to vector<256x1024xf32>
    %mul3A_27 = arith.constant 2.000000e+00 : f32
    %mul3A_28 = vector.broadcast %mul3A_27 : f32 to vector<256x1024xf32>
    %mul3A_29 = arith.mulf %mul3A_28, %slice3A_26 : vector<256x1024xf32>
    %sub3A_30 = vector.broadcast %broadcast_in_dim3A : vector<1x1024xf32> to vector<256x1024xf32>
    %sub3A_31 = arith.subf %sub3A_30, %mul3A_29 : vector<256x1024xf32>
    %slice3A_32 = vector.extract_strided_slice %broadcast_in_dim3A_10 {offsets = [256, 0], sizes = [256, 1], strides = [1, 1]} : vector<1024x1xf32> to vector<256x1xf32>
    %add3A_33 = vector.broadcast %slice3A_32 : vector<256x1xf32> to vector<256x1024xf32>
    %add3A_34 = arith.addf %sub3A_31, %add3A_33 : vector<256x1024xf32>
    %reduce_min3A_35 = arith.constant dense<0x7F800000> : vector<1024xf32>
    %reduce_min3A_36 = vector.multi_reduction <minimumf>, %add3A_34, %reduce_min3A_35 [0] : vector<256x1024xf32> to vector<1024xf32>
    %broadcast_in_dim3A_37 = vector.shape_cast %reduce_min3A_36 : vector<1024xf32> to vector<1x1024xf32>
    %eq3A_38 = vector.broadcast %broadcast_in_dim3A_37 : vector<1x1024xf32> to vector<256x1024xf32>
    %eq3A_39 = arith.cmpf oeq, %add3A_34, %eq3A_38 : vector<256x1024xf32>
    %jit3A_40 = arith.constant 2.000000e+09 : f32
    %broadcast_in_dim3A_41 = vector.broadcast %jit3A_40 : f32 to vector<256x1024xf32>
    %select_n3A_42 = arith.select %eq3A_39, %convert_element_type3A, %broadcast_in_dim3A_41 : vector<256x1024xi1>, vector<256x1024xf32>
    %reduce_min3A_43 = arith.constant dense<0x7F800000> : vector<1024xf32>
    %reduce_min3A_44 = vector.multi_reduction <minimumf>, %select_n3A_42, %reduce_min3A_43 [0] : vector<256x1024xf32> to vector<1024xf32>
    %broadcast_in_dim3A_45 = vector.shape_cast %reduce_min3A_44 : vector<1024xf32> to vector<1x1024xf32>
    %lt3A = arith.cmpf olt, %broadcast_in_dim3A_37, %broadcast_in_dim3A_18 : vector<1x1024xf32>
    %select_n3A_46 = arith.select %lt3A, %broadcast_in_dim3A_45, %broadcast_in_dim3A_23 : vector<1x1024xi1>, vector<1x1024xf32>
    %jit3A_47 = arith.constant 1.000000e+00 : f32
    %broadcast_in_dim3A_48 = vector.broadcast %jit3A_47 : f32 to vector<1x1024xf32>
    %select_n3A_49 = arith.select %lt3A, %broadcast_in_dim3A_48, %broadcast_in_dim3A_25 : vector<1x1024xi1>, vector<1x1024xf32>
    %min3A = arith.minimumf %broadcast_in_dim3A_18, %broadcast_in_dim3A_37 : vector<1x1024xf32>
    %slice3A_50 = vector.extract_strided_slice %dot_general3A_5 {offsets = [512, 0], sizes = [256, 1024], strides = [1, 1]} : vector<1024x1024xf32> to vector<256x1024xf32>
    %mul3A_51 = arith.constant 2.000000e+00 : f32
    %mul3A_52 = vector.broadcast %mul3A_51 : f32 to vector<256x1024xf32>
    %mul3A_53 = arith.mulf %mul3A_52, %slice3A_50 : vector<256x1024xf32>
    %sub3A_54 = vector.broadcast %broadcast_in_dim3A : vector<1x1024xf32> to vector<256x1024xf32>
    %sub3A_55 = arith.subf %sub3A_54, %mul3A_53 : vector<256x1024xf32>
    %slice3A_56 = vector.extract_strided_slice %broadcast_in_dim3A_10 {offsets = [512, 0], sizes = [256, 1], strides = [1, 1]} : vector<1024x1xf32> to vector<256x1xf32>
    %add3A_57 = vector.broadcast %slice3A_56 : vector<256x1xf32> to vector<256x1024xf32>
    %add3A_58 = arith.addf %sub3A_55, %add3A_57 : vector<256x1024xf32>
    %reduce_min3A_59 = arith.constant dense<0x7F800000> : vector<1024xf32>
    %reduce_min3A_60 = vector.multi_reduction <minimumf>, %add3A_58, %reduce_min3A_59 [0] : vector<256x1024xf32> to vector<1024xf32>
    %broadcast_in_dim3A_61 = vector.shape_cast %reduce_min3A_60 : vector<1024xf32> to vector<1x1024xf32>
    %eq3A_62 = vector.broadcast %broadcast_in_dim3A_61 : vector<1x1024xf32> to vector<256x1024xf32>
    %eq3A_63 = arith.cmpf oeq, %add3A_58, %eq3A_62 : vector<256x1024xf32>
    %jit3A_64 = arith.constant 2.000000e+09 : f32
    %broadcast_in_dim3A_65 = vector.broadcast %jit3A_64 : f32 to vector<256x1024xf32>
    %select_n3A_66 = arith.select %eq3A_63, %convert_element_type3A, %broadcast_in_dim3A_65 : vector<256x1024xi1>, vector<256x1024xf32>
    %reduce_min3A_67 = arith.constant dense<0x7F800000> : vector<1024xf32>
    %reduce_min3A_68 = vector.multi_reduction <minimumf>, %select_n3A_66, %reduce_min3A_67 [0] : vector<256x1024xf32> to vector<1024xf32>
    %broadcast_in_dim3A_69 = vector.shape_cast %reduce_min3A_68 : vector<1024xf32> to vector<1x1024xf32>
    %lt3A_70 = arith.cmpf olt, %broadcast_in_dim3A_61, %min3A : vector<1x1024xf32>
    %select_n3A_71 = arith.select %lt3A_70, %broadcast_in_dim3A_69, %select_n3A_46 : vector<1x1024xi1>, vector<1x1024xf32>
    %jit3A_72 = arith.constant 2.000000e+00 : f32
    %broadcast_in_dim3A_73 = vector.broadcast %jit3A_72 : f32 to vector<1x1024xf32>
    %select_n3A_74 = arith.select %lt3A_70, %broadcast_in_dim3A_73, %select_n3A_49 : vector<1x1024xi1>, vector<1x1024xf32>
    %min3A_75 = arith.minimumf %min3A, %broadcast_in_dim3A_61 : vector<1x1024xf32>
    %slice3A_76 = vector.extract_strided_slice %dot_general3A_5 {offsets = [768, 0], sizes = [256, 1024], strides = [1, 1]} : vector<1024x1024xf32> to vector<256x1024xf32>
    %mul3A_77 = arith.constant 2.000000e+00 : f32
    %mul3A_78 = vector.broadcast %mul3A_77 : f32 to vector<256x1024xf32>
    %mul3A_79 = arith.mulf %mul3A_78, %slice3A_76 : vector<256x1024xf32>
    %sub3A_80 = vector.broadcast %broadcast_in_dim3A : vector<1x1024xf32> to vector<256x1024xf32>
    %sub3A_81 = arith.subf %sub3A_80, %mul3A_79 : vector<256x1024xf32>
    %slice3A_82 = vector.extract_strided_slice %broadcast_in_dim3A_10 {offsets = [768, 0], sizes = [256, 1], strides = [1, 1]} : vector<1024x1xf32> to vector<256x1xf32>
    %add3A_83 = vector.broadcast %slice3A_82 : vector<256x1xf32> to vector<256x1024xf32>
    %add3A_84 = arith.addf %sub3A_81, %add3A_83 : vector<256x1024xf32>
    %reduce_min3A_85 = arith.constant dense<0x7F800000> : vector<1024xf32>
    %reduce_min3A_86 = vector.multi_reduction <minimumf>, %add3A_84, %reduce_min3A_85 [0] : vector<256x1024xf32> to vector<1024xf32>
    %broadcast_in_dim3A_87 = vector.shape_cast %reduce_min3A_86 : vector<1024xf32> to vector<1x1024xf32>
    %eq3A_88 = vector.broadcast %broadcast_in_dim3A_87 : vector<1x1024xf32> to vector<256x1024xf32>
    %eq3A_89 = arith.cmpf oeq, %add3A_84, %eq3A_88 : vector<256x1024xf32>
    %jit3A_90 = arith.constant 2.000000e+09 : f32
    %broadcast_in_dim3A_91 = vector.broadcast %jit3A_90 : f32 to vector<256x1024xf32>
    %select_n3A_92 = arith.select %eq3A_89, %convert_element_type3A, %broadcast_in_dim3A_91 : vector<256x1024xi1>, vector<256x1024xf32>
    %reduce_min3A_93 = arith.constant dense<0x7F800000> : vector<1024xf32>
    %reduce_min3A_94 = vector.multi_reduction <minimumf>, %select_n3A_92, %reduce_min3A_93 [0] : vector<256x1024xf32> to vector<1024xf32>
    %broadcast_in_dim3A_95 = vector.shape_cast %reduce_min3A_94 : vector<1024xf32> to vector<1x1024xf32>
    %lt3A_96 = arith.cmpf olt, %broadcast_in_dim3A_87, %min3A_75 : vector<1x1024xf32>
    %select_n3A_97 = arith.select %lt3A_96, %broadcast_in_dim3A_95, %select_n3A_71 : vector<1x1024xi1>, vector<1x1024xf32>
    %jit3A_98 = arith.constant 3.000000e+00 : f32
    %broadcast_in_dim3A_99 = vector.broadcast %jit3A_98 : f32 to vector<1x1024xf32>
    %select_n3A_100 = arith.select %lt3A_96, %broadcast_in_dim3A_99, %select_n3A_74 : vector<1x1024xi1>, vector<1x1024xf32>
    %min3A_101 = arith.minimumf %min3A_75, %broadcast_in_dim3A_87 : vector<1x1024xf32>
    %mul3A_102 = arith.constant 2.560000e+02 : f32
    %mul3A_103 = vector.broadcast %mul3A_102 : f32 to vector<1x1024xf32>
    %mul3A_104 = arith.mulf %select_n3A_100, %mul3A_103 : vector<1x1024xf32>
    %add3A_105 = arith.addf %mul3A_104, %select_n3A_97 : vector<1x1024xf32>
    %convert_element_type3A_106 = arith.fptosi %add3A_105 : vector<1x1024xf32> to vector<1x1024xi32>
    %reshape3A = vector.shape_cast %convert_element_type3A_106 : vector<1x1024xi32> to vector<1x1x1024xi32>
    %swap3A = arith.constant 0 : index
    %swap3A_107 = arith.constant 0 : index
    %swap3A_108 = arith.constant 0 : index
    %swap3A_109 = vector.load %arg3[%swap3A, %swap3A_107, %swap3A_108] : memref<1x1x1024xi32, #tpu.memory_space<vmem>>, vector<1x1x1024xi32>
    tpu.vector_store %arg3[%swap3A, %swap3A_107, %swap3A_108], %reshape3A {strides = array<i32>} : memref<1x1x1024xi32, #tpu.memory_space<vmem>>, vector<1x1x1024xi32>,
    %eq3A_110 = arith.constant 0 : i32
    %eq3A_111 = arith.cmpi eq, %arg0, %eq3A_110 : i32
    %convert_element_type3A_112 = arith.extui %eq3A_111 : i1 to i32
    %cond3A = arith.constant 0 : i32
    %cond3A_113 = arith.cmpi ne, %convert_element_type3A_112, %cond3A : i32
    scf.if %cond3A_113 {
      %broadcast_in_dim3A_129 = arith.constant 0.000000e+00 : f32
      %broadcast_in_dim3A_130 = vector.broadcast %broadcast_in_dim3A_129 : f32 to vector<1x1xf32>
      %swap3A_131 = arith.constant 0 : index
      %swap3A_132 = arith.constant 0 : index
      %swap3A_133 = vector.load %arg4[%swap3A_131, %swap3A_132] : memref<1x1xf32, #tpu.memory_space<vmem>>, vector<1x1xf32>
      tpu.vector_store %arg4[%swap3A_131, %swap3A_132], %broadcast_in_dim3A_130 {strides = array<i32>} : memref<1x1xf32, #tpu.memory_space<vmem>>, vector<1x1xf32>,
    } else {
    }
    %get3A_114 = arith.constant 0 : index
    %get3A_115 = arith.constant 0 : index
    %get3A_116 = vector.load %arg4[%get3A_114, %get3A_115] : memref<1x1xf32, #tpu.memory_space<vmem>>, vector<1x1xf32>
    %reduce_sum3A_117 = vector.shape_cast %min3A_101 : vector<1x1024xf32> to vector<1x1x1024xf32>
    %reduce_sum3A_118 = arith.constant dense<0.000000e+00> : vector<1xf32>
    %reduce_sum3A_119 = vector.multi_reduction <add>, %reduce_sum3A_117, %reduce_sum3A_118 [1, 2] : vector<1x1x1024xf32> to vector<1xf32>
    %reduce_sum3A_120 = vector.shape_cast %reduce_sum3A_119 : vector<1xf32> to vector<1x1x1xf32>
    %reduce_sum3A_121 = vector.extract %reduce_sum3A_120[0, 0, 0] : f32 from vector<1x1x1xf32>
    %mul3A_122 = arith.constant 1.1920929E-7 : f32
    %mul3A_123 = arith.mulf %reduce_sum3A_121, %mul3A_122 : f32
    %reshape3A_124 = vector.broadcast %mul3A_123 : f32 to vector<1x1xf32>
    %add3A_125 = arith.addf %get3A_116, %reshape3A_124 : vector<1x1xf32>
    %swap3A_126 = arith.constant 0 : index
    %swap3A_127 = arith.constant 0 : index
    %swap3A_128 = vector.load %arg4[%swap3A_126, %swap3A_127] : memref<1x1xf32, #tpu.memory_space<vmem>>, vector<1x1xf32>
    tpu.vector_store %arg4[%swap3A_126, %swap3A_127], %add3A_125 {strides = array<i32>} : memref<1x1xf32, #tpu.memory_space<vmem>>, vector<1x1xf32>,
    return
  }
  func.func @transform_0(%arg0: i32) -> (i32, i32) {
    %c0_i32 = arith.constant 0 : i32
    %c0_i32_0 = arith.constant 0 : i32
    return %arg0, %c0_i32 : i32, i32
  }
  func.func @transform_1(%arg0: i32) -> (i32, i32) {
    %c0_i32 = arith.constant 0 : i32
    %c0_i32_0 = arith.constant 0 : i32
    %c0_i32_1 = arith.constant 0 : i32
    return %c0_i32, %c0_i32_0 : i32, i32
  }
  func.func @transform_2(%arg0: i32) -> (i32, i32, i32) {
    %c0_i32 = arith.constant 0 : i32
    %c0_i32_0 = arith.constant 0 : i32
    %c0_i32_1 = arith.constant 0 : i32
    return %arg0, %c0_i32, %c0_i32_0 : i32, i32, i32
  }
  func.func @transform_3(%arg0: i32) -> (i32, i32) {
    %c0_i32 = arith.constant 0 : i32
    %c0_i32_0 = arith.constant 0 : i32
    %c0_i32_1 = arith.constant 0 : i32
    return %c0_i32, %c0_i32_0 : i32, i32
  }
}

</mosaic_0001>

<sc_bundles>
// kernel: kernel.4.cloned.1.call-start
scs
__scs_entry_jumppad:
0x0: {  	(pc) =	sbr.rel $0x88, $3  }
0x1: {  	(tag) =	ssettag $0x0;
	lr =	simm.s32 $0x1  }
0x2: {  	[smem:$0x3F9F] =	sst lr;
	_ =	strace $0xD0000000  }
0x3: {  	_ = 	snop  }
0x4: {  	_ = 	snop  }
0x5: {  	_ = 	snop  }
0x6: {  	_ = 	snop  }
0x7: {  	_ = 	snop  }
__scs_overlays_trampoline_lowered:
0x8: {  	[smem:$0x3FAE] =	sst s0  }
0x9: {  	[smem:$0x3FAF] =	sst s1  }
0xa: {  	[smem:$0x3FB0] =	sst s2  }
0xb: {  	[smem:$0x3FB1] =	sst s3  }
0xc: {  	[smem:$0x3FB2] =	sst s4  }
0xd: {  	[smem:$0x3FB3] =	sst s5  }
0xe: {  	[smem:$0x3FB4] =	sst s6  }
0xf: {  	[smem:$0x3FB5] =	sst s7  }
0x10: {  	[smem:$0x3FB6] =	sst s8  }
0x11: {  	[smem:$0x3FB7] =	sst s9;
	s0 =	simm.s32 @!p0 $0x0  }
0x12: {  	s1 =	sld [smem:$0x3F9D];
	s0 =	simm.s32 @p0 $0x1  }
0x13: {  	[smem:$0x3FB8] =	sst s0;
	s0 =	simm.s32 @!p1 $0x0  }
0x14: {  	s2 =	sld [smem:$0x3F9C];
	s0 =	simm.s32 @p1 $0x1  }
0x15: {  	[smem:$0x3FB9] =	sst s0;
	s0 =	simm.s32 @!p2 $0x0  }
0x16: {  	s3 =	sld [smem:$0x3FDB];
	s0 =	simm.s32 @p2 $0x1  }
0x17: {  	s4 =	simm.s32 $0x1BF5;
	[smem:$0x3FBB] =	sst s0  }
0x18: {  	s0 =	sld [smem:$0x3F9E];
	_ =	swait.ge [sflag:s4], $0x0  }
0x19: {  	s7 =	sld [smem:$0x3F9F]  }
0x1a: {  	s8 =	sadd.s32 $0xFFFFE003, lr  }
0x1b: {  	s9 =	sadd.s32 $0xFFFFFEF7, lr;
	s5 =	simm.s32 $0xFFFFFFFF;
	p2 =	slt.u32 s8, $0xFFFFF086  }
0x1c: {  	p1 =	slt.u32 s9, $0xF7A;
	s5 =	simm.s32 @!p2 $0x0  }
0x1d: {  	s5 =	simm.s32 @p1 $0x1;
	p0 =	seq.s32 s7, s2  }
0x1e: {  	s7 =	smul.u32 @!p0 $0xF7A, s2;
	p2 =	seq.s32 @!p0 s5, $0x0  }
0x1f: {  	s9 =	smul.u32 $0xF7A, s1;
	s8 =	simm.s32 @!p0 $0x1BF5;
	p2 =	por !p2, p0  }
0x20: {  	[sflag:s8] =	ssyncset.s32 @!p0 $0xFFFFF086;
	s6 =	sadd.s32 @!p0 s3, s7;
	s7 =	simm.s32 @!p0 $0x108  }
0x21: {  	s3 =	sadd.s32 s3, s9;
	s6 =	sadd.s32 @!p0 $0x88, s6;
	s7 =	simm.s32 @p2 $0x1082  }
0x22: {  	[simem:s7], [sflag:s8] =	dma.local @!p0 [hbm:s6], $0xF7A  }
0x23: {  	s9 =	sor.u32 $0xD0000000, s2;
	s6 =	simm.s32 $0x108;
	_ =	swait.ge @!p0 [sflag:s8], $0x0  }
0x24: {  	s3 =	sadd.s32 $0x88, s3;
	s6 =	simm.s32 @!p1 $0x1082;
	[sflag:s4] =	ssyncset.s32 $0xFFFFF086  }
0x25: {  	[simem:s6], [sflag:s4] =	dma.local [hbm:s3], $0xF7A  }
0x26: {  	[smem:$0x3F9F] =	sst s1;
	(tag) =	ssettag s2;
	_ =	strace s9  }
0x27: {  	s1 =	sld [smem:$0x3FAF]  }
0x28: {  	s2 =	sld [smem:$0x3FB0]  }
0x29: {  	s4 =	sld [smem:$0x3FB2]  }
0x2a: {  	p0 =	seq.s32 s5, $0x0;
	s5 =	sld [smem:$0x3FB3]  }
0x2b: {  	s6 =	sld [smem:$0x3FB4]  }
0x2c: {  	s7 =	sld [smem:$0x3FB5]  }
0x2d: {  	s3 =	simm.s32 $0x108;
	s8 =	sld [smem:$0x3FB6]  }
0x2e: {  	s3 =	simm.s32 @!p0 $0x1082;
	s9 =	sld [smem:$0x3FB7]  }
0x2f: {  	lr =	sadd.s32 s0, s3;
	s0 =	sld [smem:$0x3FAE]  }
0x30: {  	s3 =	sld [smem:$0x3FB1]  }
0x31: {  	[smem:$0x3FBA] =	sst s10  }
0x32: {  	s10 =	sld [smem:$0x3FB8];
	_ =	sdelay $0x3  }
0x33: {  	p0 =	seq.s32 s10, $0x1;
	s10 =	sld [smem:$0x3FBA];
	_ =	sdelay $0x3  }
0x34: {  	[smem:$0x3FBA] =	sst s10  }
0x35: {  	s10 =	sld [smem:$0x3FB9];
	_ =	sdelay $0x3  }
0x36: {  	p1 =	seq.s32 s10, $0x1;
	s10 =	sld [smem:$0x3FBA];
	_ =	sdelay $0x3  }
0x37: {  	[smem:$0x3FBA] =	sst s10  }
0x38: {  	s10 =	sld [smem:$0x3FBB]  }
0x39: {  	_ = 	snop;
	(pc) =	sbr.ind lr, $3  }
0x3a: {  	_ = 	snop  }
0x3b: {  	_ = 	snop  }
0x3c: {  	p2 =	seq.s32 s10, $0x1;
	s10 =	sld [smem:$0x3FBA]  }
0x3d: {  	_ =	shalt  }
0x3e: {  	_ =	shalt  }
0x3f: {  	_ =	shalt  }
0x40: {  	_ =	shalt  }
0x41: {  	_ =	shalt  }
0x42: {  	_ =	shalt  }
0x43: {  	_ =	shalt  }
0x44: {  	_ =	shalt  }
0x45: {  	_ =	shalt  }
0x46: {  	_ =	shalt  }
0x47: {  	_ =	shalt  }
0x48: {  	_ =	shalt  }
0x49: {  	_ =	shalt  }
0x4a: {  	_ =	shalt  }
0x4b: {  	_ =	shalt  }
0x4c: {  	_ =	shalt  }
0x4d: {  	_ =	shalt  }
0x4e: {  	_ =	shalt  }
0x4f: {  	_ =	shalt  }
0x50: {  	_ =	shalt  }
0x51: {  	_ =	shalt  }
0x52: {  	_ =	shalt  }
0x53: {  	_ =	shalt  }
0x54: {  	_ =	shalt  }
0x55: {  	_ =	shalt  }
0x56: {  	_ =	shalt  }
0x57: {  	_ =	shalt  }
0x58: {  	_ =	shalt  }
0x59: {  	_ =	shalt  }
0x5a: {  	_ =	shalt  }
0x5b: {  	_ =	shalt  }
0x5c: {  	_ =	shalt  }
0x5d: {  	_ =	shalt  }
0x5e: {  	_ =	shalt  }
0x5f: {  	_ =	shalt  }
0x60: {  	_ =	shalt  }
0x61: {  	_ =	shalt  }
0x62: {  	_ =	shalt  }
0x63: {  	_ =	shalt  }
0x64: {  	_ =	shalt  }
0x65: {  	_ =	shalt  }
0x66: {  	_ =	shalt  }
0x67: {  	_ =	shalt  }
0x68: {  	_ =	shalt  }
0x69: {  	_ =	shalt  }
0x6a: {  	_ =	shalt  }
0x6b: {  	_ =	shalt  }
0x6c: {  	_ =	shalt  }
0x6d: {  	_ =	shalt  }
0x6e: {  	_ =	shalt  }
0x6f: {  	_ =	shalt  }
0x70: {  	_ =	shalt  }
0x71: {  	_ =	shalt  }
0x72: {  	_ =	shalt  }
0x73: {  	_ =	shalt  }
0x74: {  	_ =	shalt  }
0x75: {  	_ =	shalt  }
0x76: {  	_ =	shalt  }
0x77: {  	_ =	shalt  }
0x78: {  	_ =	shalt  }
0x79: {  	_ =	shalt  }
0x7a: {  	_ =	shalt  }
0x7b: {  	_ =	shalt  }
0x7c: {  	_ =	shalt  }
0x7d: {  	_ =	shalt  }
0x7e: {  	_ =	shalt  }
0x7f: {  	_ =	shalt  }
0x80: {  	_ =	shalt  }
0x81: {  	_ =	shalt  }
0x82: {  	_ =	shalt  }
0x83: {  	_ =	shalt  }
0x84: {  	_ =	shalt  }
0x85: {  	_ =	shalt  }
0x86: {  	_ =	shalt  }
0x87: {  	_ =	shalt  }
.Lfunc_end0:
.L_simem_size_0:
called_computation_lowered:
.L_overlay_start_0:
0x88: {  	s2 =	sld [smem:$0x3FD9]  }
0x89: {  	s3 =	sld [smem:$0x3FFE];
	_ =	sdelay $0x1  }
0x8a: {  	s1 =	srdreg.scid  }
0x8b: {  	s0 =	sand.u32 $0x1, s1  }
0x8c: {  	s14 =	sshll.u32 s0, $0xA;
	s2 =	sadd.s32 s3, s2  }
0x8d: {  	s2 =	sadd.s32 s2, s14  }
0x8e: {  	[smem:$0x3FC6] =	sst s2  }
0x8f: {  	_ = 	snop  }
0x90: {  	s2 =	sld [smem:$0x3FD0];
	_ =	sdelay $0x2  }
0x91: {  	s15 =	simm.s32 $0xA;
	s4 =	simm.s32 $0x10  }
0x92: {  	[smem:s4], [sflag:s15] =	dma.local [hbm:s2], $0x1  }
0x93: {  	_ =	swait.eq [sflag:s15], $0x1  }
0x94: {  	[sflag:s15] =	ssyncset.done $0x0  }
0x95: {  	s16 =	sld [smem:$0x10];
	[sflag:s15] =	ssyncadd.s32 $0xFFFFFFFF  }
0x96: {  	s17 =	sld [smem:$0x12];
	(tm) =	ssettm $0x1  }
0x97: {  	s18 =	sld [smem:$0x3FFB];
	_ =	sdelay $0x3  }
0x98: {  	_ =	strace s18  }
0x99: {  	s4 =	sld [smem:$0x3FFC];
	_ =	sdelay $0x3  }
0x9a: {  	_ =	strace s4  }
0x9b: {  	s4 =	sld [smem:$0x3FFD];
	_ =	sdelay $0x3  }
0x9c: {  	_ =	strace s4  }
0x9d: {  	_ =	strace $0x8FFFFFFF  }
0x9e: {  	s19 =	sld [smem:$0x3FDB];
	_ =	sdelay $0x1  }
0x9f: {  	s5 =	simm.s32 $_scs_section_size  }
0xa0: {  	s6 =	simm.s32 $_size__tile_overlayer_lowered;
	s7 =	simm.s32 $_tile_overlayer_lowered  }
0xa1: {  	s22 =	simm.s32 $0x1BFF;
	s21 =	sshll.u32 s7, $0x1;
	s4 =	sadd.s32 s5, s19  }
0xa2: {  	s8 =	simm.s32 $0x0;
	s20 =	sshll.u32 s6, $0x1;
	s6 =	sadd.s32 s21, s4  }
0xa3: {  	[timem:s8], [sflag:s22] =	dma.local [hbm:s6], s20  }
0xa4: {  	_ =	swait.ge [sflag:s22], s20  }
0xa5: {  	s5 =	ssub.s32 $0x0, s20;
	[sflag:s22] =	ssyncset.done $0x0  }
0xa6: {  	[sflag:s22] =	ssyncadd.s32 s5;
	_ =	sdelay $0x1  }
0xa7: {  	s23 =	simm.s32 $0x1B8B  }
0xa8: {  	_ =	swait.ge [sflag:s23], $0x1  }
0xa9: {  	[sflag:s23] =	ssyncset.done $0x0  }
0xaa: {  	s25 =	simm.s32 $0x1B8E;
	s24 =	sld [smem:$0x3FFE];
	[sflag:s23] =	ssyncadd.s32 $0xFFFFFFFF  }
0xab: {  	s26 =	simm.s32 $execute0_lowered;
	[smem:$0x3FD2] =	sst s25  }
0xac: {  	s6 =	sshll.u32 s26, $0x1;
	_ =	strace $0x80000046;
	[dreg:$0x1] =	wrdreg $0xFFFFFFFF  }
0xad: {  	s28 =	simm.s32 $_size_execute0_lowered;
	s4 =	sadd.s32 s4, s6;
	[dreg:$0x0] =	wrdreg $0x0  }
0xae: {  	s6 =	sshll.u32 s28, $0x1;
	[dreg:$0x2] =	wrdreg s4  }
0xaf: {  	[dreg:$0x3] =	wrdreg s6  }
0xb0: {  	[dreg:$0x4] =	wrdreg $0xC0  }
0xb1: {  	_ =	task [dreg:s8], $0x5FFFF  }
0xb2: {  	[dreg:$0x1] =	wrdreg $0xFFFFFFFF  }
0xb3: {  	[dreg:$0x0] =	wrdreg $0x60  }
0xb4: {  	[dreg:$0x2] =	wrdreg s16  }
0xb5: {  	[dreg:$0x3] =	wrdreg s17  }
0xb6: {  	[dreg:$0x4] =	wrdreg s24  }
0xb7: {  	[dreg:$0x5] =	wrdreg $0x9  }
0xb8: {  	_ =	task.clear_ibuf [dreg:s8], $0x6FFFF;
	_ =	strace $0x90000046  }
0xb9: {  	s29 =	simm.s32 $0x9;
	_ =	strace $0x80000048  }
0xba: {  	_ =	swait.ge [sflag:s29], $0x1  }
0xbb: {  	[sflag:s29] =	ssyncadd.s32 $0xFFFFFFFF  }
0xbc: {  	_ =	strace $0x90000048  }
0xbd: {  	_ =	sfence  }
0xbe: {  	s30 =	sld [smem:$0x0];
	_ =	sdelay $0x2  }
0xbf: {  	s31 =	sshll.u32 s1, $0xD;
	s1 =	sshrl.u32 s1, $0x2  }
0xc0: {  	s3 =	sand.u32 $0x4000, s31;
	s1 =	sadd.s32 s1, s30  }
0xc1: {  	s0 =	sor.u32 s3, s0;
	s1 =	sshll.u32 s1, $0x11  }
0xc2: {  	s0 =	sor.u32 s1, s0  }
0xc3: {  	s0 =	sadd.s32 $0x8F2B, s0  }
0xc4: {  	[sflag:s0] =	ssyncadd.remote.s32 $0x1  }
0xc5: {  	_ =	sfence.sel $0xFFFF  }
0xc6: {  	[dreg:$0x0] =	wrdreg $0xFFFFFFFF;
	(pc) =	sbr.abs _section_cstart, $3  }
0xc7: {  	[dreg:$0x1] =	wrdreg $0xFFFFFFFF  }
0xc8: {  	_ =	task.clear_ibuf [dreg:s8], $0x2FFFF;
	_ =	strace $0x9FFFFFFF  }
0xc9: {  	(tm) =	ssettm $0x7FFFFFFF  }
tec
execute0_lowered:
.L_overlay_start_1:
0x0: {  	(tag) =	ssettag $0x1  }
0x1: {  	s1 =	rddreg [dreg:$0x0]  }
0x2: {  	s4 =	rddreg [dreg:$0x1]  }
0x3: {  	s5 =	rddreg [dreg:$0x2]  }
0x4: {  	s0 =	rddreg [dreg:$0x3]  }
0x5: {  	s3 =	simm.s32 $0x0;
	s6 =	srdreg.scid;
	s2 =	stileid.u32  }
0x6: {  	s10 =	simm.s32 $0x10000;
	s11 =	simm.s32 $0x1;
	s12 =	simm.s32 $0x10400  }
0x7: {  	s13 =	simm.s32 $0x14400;
	s14 =	simm.s32 $0x2;
	s15 =	simm.s32 $0x3  }
0x8: {  	s16 =	simm.s32 $0x0;
	s6 =	sand.u32 $0x1, s6;
	s7 =	sshll.u32 s2, $0x1  }
0x9: {  	[smem:$0x7FF] =	sst s3;
	s7 =	sor.u32 s6, s7;
	s6 =	ssub.s32 $0x2, s6  }
0xa: {  	_ =	strace $0x80000047;
	s8 =	sshll.u32 s7, $0xD;
	s9 =	sshrl.u32 s6, $0x1  }
0xb: {  	s7 =	sshll.u32 s7, $0x7;
	s8 =	sadd.s32 s8, s5;
	s9 =	ssub.s32 s6, s9  }
0xc: {  	s4 =	sadd.s32 s4, s7;
	s5 =	sadd.s32 $0x800, s8;
	s6 =	sadd.s32 $0x1000, s8  }
0xd: {  	s7 =	sadd.s32 $0x1800, s8;
	s8 =	sadd.s32 $0x2000, s8;
	s9 =	smax.u32 s9, $0x1  }
.LBB2_1:
0xe: {  	[tilespmem:s3], [sflag:$0x1] =	stream.linear.gather [hbm4b:s1+s3], $0x10000, $0x38;
	[tilespmem:$0x18400] =	vst v63  }
0xf: {  	_ = 	snop  }
0x10: {  	[tilespmem:s10], [sflag:$0x1] =	stream.linear.gather [hbm4b:s4+s3], $0x400, $0x38;
	[tilespmem:$0x18400] =	vst v63  }
0x11: {  	_ =	swait.ge [sflag:s11], $0x10000  }
0x12: {  	[sflag:s11] =	ssyncset.done $0x0  }
0x13: {  	[sflag:s11] =	ssyncadd.s32 $0xFFFF0000  }
0x14: {  	_ =	swait.ge [sflag:s11], $0x400  }
0x15: {  	[sflag:s11] =	ssyncset.done $0x0  }
0x16: {  	s17 =	simm.s32 $0x0;
	[sflag:s11] =	ssyncadd.s32 $0xFFFFFC00  }
0x17: {  	v0 =	vld [tilespmem:s17+$0x10000];
	_ =	sdelay $0x7  }
0x18: {  	v1 =	vld.idx.msk [tilespmem:v0+s3+$0x0], $0xffff  }
0x19: {  	v2 =	vadd.s32 $0x400, v0;
	_ =	sdelay $0x3  }
0x1a: {  	[tilespmem:s17+$0x10400] =	vst v1  }
0x1b: {  	v1 =	vld.idx.msk [tilespmem:v2+s3+$0x0], $0xffff  }
0x1c: {  	v2 =	vadd.s32 $0x800, v0;
	_ =	sdelay $0x3  }
0x1d: {  	[tilespmem:s17+$0x10800] =	vst v1  }
0x1e: {  	v1 =	vld.idx.msk [tilespmem:v2+s3+$0x0], $0xffff  }
0x1f: {  	v2 =	vadd.s32 $0xC00, v0;
	_ =	sdelay $0x3  }
0x20: {  	[tilespmem:s17+$0x10C00] =	vst v1  }
0x21: {  	v1 =	vld.idx.msk [tilespmem:v2+s3+$0x0], $0xffff  }
0x22: {  	v2 =	vadd.s32 $0x1000, v0;
	_ =	sdelay $0x3  }
0x23: {  	[tilespmem:s17+$0x11000] =	vst v1  }
0x24: {  	v1 =	vld.idx.msk [tilespmem:v2+s3+$0x0], $0xffff  }
0x25: {  	v2 =	vadd.s32 $0x1400, v0;
	_ =	sdelay $0x3  }
0x26: {  	[tilespmem:s17+$0x11400] =	vst v1  }
0x27: {  	v1 =	vld.idx.msk [tilespmem:v2+s3+$0x0], $0xffff  }
0x28: {  	v2 =	vadd.s32 $0x1800, v0;
	_ =	sdelay $0x3  }
0x29: {  	[tilespmem:s17+$0x11800] =	vst v1  }
0x2a: {  	v1 =	vld.idx.msk [tilespmem:v2+s3+$0x0], $0xffff  }
0x2b: {  	v2 =	vadd.s32 $0x1C00, v0;
	_ =	sdelay $0x3  }
0x2c: {  	[tilespmem:s17+$0x11C00] =	vst v1  }
0x2d: {  	v1 =	vld.idx.msk [tilespmem:v2+s3+$0x0], $0xffff  }
0x2e: {  	v2 =	vadd.s32 $0x2000, v0;
	_ =	sdelay $0x3  }
0x2f: {  	[tilespmem:s17+$0x12000] =	vst v1  }
0x30: {  	v1 =	vld.idx.msk [tilespmem:v2+s3+$0x0], $0xffff  }
0x31: {  	v2 =	vadd.s32 $0x2400, v0;
	_ =	sdelay $0x3  }
0x32: {  	[tilespmem:s17+$0x12400] =	vst v1  }
0x33: {  	v1 =	vld.idx.msk [tilespmem:v2+s3+$0x0], $0xffff  }
0x34: {  	v2 =	vadd.s32 $0x2800, v0;
	_ =	sdelay $0x3  }
0x35: {  	[tilespmem:s17+$0x12800] =	vst v1  }
0x36: {  	v1 =	vld.idx.msk [tilespmem:v2+s3+$0x0], $0xffff  }
0x37: {  	v2 =	vadd.s32 $0x2C00, v0;
	_ =	sdelay $0x3  }
0x38: {  	[tilespmem:s17+$0x12C00] =	vst v1  }
0x39: {  	v1 =	vld.idx.msk [tilespmem:v2+s3+$0x0], $0xffff  }
0x3a: {  	v2 =	vadd.s32 $0x3000, v0;
	_ =	sdelay $0x3  }
0x3b: {  	[tilespmem:s17+$0x13000] =	vst v1  }
0x3c: {  	v1 =	vld.idx.msk [tilespmem:v2+s3+$0x0], $0xffff  }
0x3d: {  	v2 =	vadd.s32 $0x3400, v0;
	_ =	sdelay $0x3  }
0x3e: {  	[tilespmem:s17+$0x13400] =	vst v1  }
0x3f: {  	v1 =	vld.idx.msk [tilespmem:v2+s3+$0x0], $0xffff  }
0x40: {  	v2 =	vadd.s32 $0x3800, v0;
	_ =	sdelay $0x3  }
0x41: {  	[tilespmem:s17+$0x13800] =	vst v1  }
0x42: {  	v1 =	vld.idx.msk [tilespmem:v2+s3+$0x0], $0xffff  }
0x43: {  	v2 =	vadd.s32 $0x3C00, v0;
	_ =	sdelay $0x2  }
0x44: {  	s19 =	simm.s32 $0x10;
	s18 =	simm.s32 $0x80  }
.LBB2_2:
0x45: {  	p0 =	sne.s32 s18, $0xFC0;
	v0 =	vld [tilespmem:s19+$0x10000];
	[tilespmem:s17+$0x13C00] =	vst v1  }
0x46: {  	v1 =	vld.idx.msk [tilespmem:v2+s3+$0x0], $0xffff;
	_ =	sdelay $0x5  }
0x47: {  	[tilespmem:s17+$0x14000] =	vst v1;
	s17 =	smov.u32 s19  }
0x48: {  	v1 =	vld.idx.msk [tilespmem:v0+s3+$0x0], $0xffff;
	_ =	sdelay $0x1  }
0x49: {  	v2 =	vadd.s32 $0x400, v0;
	_ =	sdelay $0x3  }
0x4a: {  	[tilespmem:s17+$0x10400] =	vst v1  }
0x4b: {  	v1 =	vld.idx.msk [tilespmem:v2+s3+$0x0], $0xffff;
	_ =	sdelay $0x1  }
0x4c: {  	v2 =	vadd.s32 $0x800, v0;
	_ =	sdelay $0x3  }
0x4d: {  	[tilespmem:s17+$0x10800] =	vst v1  }
0x4e: {  	v1 =	vld.idx.msk [tilespmem:v2+s3+$0x0], $0xffff;
	_ =	sdelay $0x1  }
0x4f: {  	v2 =	vadd.s32 $0xC00, v0;
	_ =	sdelay $0x3  }
0x50: {  	[tilespmem:s17+$0x10C00] =	vst v1  }
0x51: {  	v1 =	vld.idx.msk [tilespmem:v2+s3+$0x0], $0xffff;
	_ =	sdelay $0x1  }
0x52: {  	v2 =	vadd.s32 $0x1000, v0;
	_ =	sdelay $0x3  }
0x53: {  	[tilespmem:s17+$0x11000] =	vst v1  }
0x54: {  	v1 =	vld.idx.msk [tilespmem:v2+s3+$0x0], $0xffff;
	_ =	sdelay $0x1  }
0x55: {  	v2 =	vadd.s32 $0x1400, v0;
	_ =	sdelay $0x3  }
0x56: {  	[tilespmem:s17+$0x11400] =	vst v1  }
0x57: {  	v1 =	vld.idx.msk [tilespmem:v2+s3+$0x0], $0xffff;
	_ =	sdelay $0x1  }
0x58: {  	v2 =	vadd.s32 $0x1800, v0;
	_ =	sdelay $0x3  }
0x59: {  	[tilespmem:s17+$0x11800] =	vst v1  }
0x5a: {  	v1 =	vld.idx.msk [tilespmem:v2+s3+$0x0], $0xffff;
	_ =	sdelay $0x1  }
0x5b: {  	v2 =	vadd.s32 $0x1C00, v0;
	_ =	sdelay $0x3  }
0x5c: {  	[tilespmem:s17+$0x11C00] =	vst v1  }
0x5d: {  	v1 =	vld.idx.msk [tilespmem:v2+s3+$0x0], $0xffff;
	_ =	sdelay $0x1  }
0x5e: {  	v2 =	vadd.s32 $0x2000, v0;
	_ =	sdelay $0x3  }
0x5f: {  	[tilespmem:s17+$0x12000] =	vst v1  }
0x60: {  	v1 =	vld.idx.msk [tilespmem:v2+s3+$0x0], $0xffff;
	_ =	sdelay $0x1  }
0x61: {  	v2 =	vadd.s32 $0x2400, v0;
	_ =	sdelay $0x3  }
0x62: {  	[tilespmem:s17+$0x12400] =	vst v1  }
0x63: {  	v1 =	vld.idx.msk [tilespmem:v2+s3+$0x0], $0xffff;
	_ =	sdelay $0x1  }
0x64: {  	v2 =	vadd.s32 $0x2800, v0;
	_ =	sdelay $0x3  }
0x65: {  	[tilespmem:s17+$0x12800] =	vst v1  }
0x66: {  	v1 =	vld.idx.msk [tilespmem:v2+s3+$0x0], $0xffff;
	_ =	sdelay $0x1  }
0x67: {  	v2 =	vadd.s32 $0x2C00, v0;
	_ =	sdelay $0x3  }
0x68: {  	[tilespmem:s17+$0x12C00] =	vst v1  }
0x69: {  	v1 =	vld.idx.msk [tilespmem:v2+s3+$0x0], $0xffff;
	_ =	sdelay $0x1  }
0x6a: {  	v2 =	vadd.s32 $0x3000, v0;
	_ =	sdelay $0x3  }
0x6b: {  	[tilespmem:s17+$0x13000] =	vst v1  }
0x6c: {  	v1 =	vld.idx.msk [tilespmem:v2+s3+$0x0], $0xffff;
	_ =	sdelay $0x1  }
0x6d: {  	v2 =	vadd.s32 $0x3400, v0;
	_ =	sdelay $0x3  }
0x6e: {  	[tilespmem:s17+$0x13400] =	vst v1  }
0x6f: {  	v1 =	vld.idx.msk [tilespmem:v2+s3+$0x0], $0xffff;
	_ =	sdelay $0x1  }
0x70: {  	v2 =	vadd.s32 $0x3800, v0;
	_ =	sdelay $0x3  }
0x71: {  	[tilespmem:s17+$0x13800] =	vst v1  }
0x72: {  	v1 =	vld.idx.msk [tilespmem:v2+s3+$0x0], $0xffff  }
.Ltmp0:
0x73: {  	(pc) =	sbr.rel @p0 .LBB2_2-.Ltmp0, $2  }
0x74: {  	v2 =	vadd.s32 $0x3C00, v0;
	_ =	sdelay $0x2  }
0x75: {  	s19 =	sshra.s32 s18, $0x2;
	s18 =	sadd.s32 $0x40, s18  }
0x76: {  	_ =	sdelay $0x1  }
0x77: {  	v0 =	vld [tilespmem:s19+$0x10000]  }
0x78: {  	[tilespmem:s17+$0x13C00] =	vst v1  }
0x79: {  	v1 =	vld.idx.msk [tilespmem:v2+s3+$0x0], $0xffff;
	_ =	sdelay $0x4  }
0x7a: {  	[tilespmem:s17+$0x14000] =	vst v1  }
0x7b: {  	v1 =	vld.idx.msk [tilespmem:v0+s3+$0x0], $0xffff  }
0x7c: {  	v2 =	vadd.s32 $0x400, v0;
	_ =	sdelay $0x3  }
0x7d: {  	[tilespmem:s19+$0x10400] =	vst v1  }
0x7e: {  	v1 =	vld.idx.msk [tilespmem:v2+s3+$0x0], $0xffff  }
0x7f: {  	v2 =	vadd.s32 $0x800, v0;
	_ =	sdelay $0x3  }
0x80: {  	[tilespmem:s19+$0x10800] =	vst v1  }
0x81: {  	v1 =	vld.idx.msk [tilespmem:v2+s3+$0x0], $0xffff  }
0x82: {  	v2 =	vadd.s32 $0xC00, v0;
	_ =	sdelay $0x3  }
0x83: {  	[tilespmem:s19+$0x10C00] =	vst v1  }
0x84: {  	v1 =	vld.idx.msk [tilespmem:v2+s3+$0x0], $0xffff  }
0x85: {  	v2 =	vadd.s32 $0x1000, v0;
	_ =	sdelay $0x3  }
0x86: {  	[tilespmem:s19+$0x11000] =	vst v1  }
0x87: {  	v1 =	vld.idx.msk [tilespmem:v2+s3+$0x0], $0xffff  }
0x88: {  	v2 =	vadd.s32 $0x1400, v0;
	_ =	sdelay $0x3  }
0x89: {  	[tilespmem:s19+$0x11400] =	vst v1  }
0x8a: {  	v1 =	vld.idx.msk [tilespmem:v2+s3+$0x0], $0xffff  }
0x8b: {  	v2 =	vadd.s32 $0x1800, v0;
	_ =	sdelay $0x3  }
0x8c: {  	[tilespmem:s19+$0x11800] =	vst v1  }
0x8d: {  	v1 =	vld.idx.msk [tilespmem:v2+s3+$0x0], $0xffff  }
0x8e: {  	v2 =	vadd.s32 $0x1C00, v0;
	_ =	sdelay $0x3  }
0x8f: {  	[tilespmem:s19+$0x11C00] =	vst v1  }
0x90: {  	v1 =	vld.idx.msk [tilespmem:v2+s3+$0x0], $0xffff  }
0x91: {  	v2 =	vadd.s32 $0x2000, v0;
	_ =	sdelay $0x3  }
0x92: {  	[tilespmem:s19+$0x12000] =	vst v1  }
0x93: {  	v1 =	vld.idx.msk [tilespmem:v2+s3+$0x0], $0xffff  }
0x94: {  	v2 =	vadd.s32 $0x2400, v0;
	_ =	sdelay $0x3  }
0x95: {  	[tilespmem:s19+$0x12400] =	vst v1  }
0x96: {  	v1 =	vld.idx.msk [tilespmem:v2+s3+$0x0], $0xffff  }
0x97: {  	v2 =	vadd.s32 $0x2800, v0;
	_ =	sdelay $0x3  }
0x98: {  	[tilespmem:s19+$0x12800] =	vst v1  }
0x99: {  	v1 =	vld.idx.msk [tilespmem:v2+s3+$0x0], $0xffff  }
0x9a: {  	v2 =	vadd.s32 $0x2C00, v0;
	_ =	sdelay $0x3  }
0x9b: {  	[tilespmem:s19+$0x12C00] =	vst v1  }
0x9c: {  	v1 =	vld.idx.msk [tilespmem:v2+s3+$0x0], $0xffff  }
0x9d: {  	v2 =	vadd.s32 $0x3000, v0;
	_ =	sdelay $0x3  }
0x9e: {  	[tilespmem:s19+$0x13000] =	vst v1  }
0x9f: {  	v1 =	vld.idx.msk [tilespmem:v2+s3+$0x0], $0xffff  }
0xa0: {  	v2 =	vadd.s32 $0x3400, v0;
	_ =	sdelay $0x3  }
0xa1: {  	[tilespmem:s19+$0x13400] =	vst v1  }
0xa2: {  	v1 =	vld.idx.msk [tilespmem:v2+s3+$0x0], $0xffff  }
0xa3: {  	v2 =	vadd.s32 $0x3800, v0;
	_ =	sdelay $0x3  }
0xa4: {  	[tilespmem:s19+$0x13800] =	vst v1  }
0xa5: {  	v1 =	vld.idx.msk [tilespmem:v2+s3+$0x0], $0xffff  }
0xa6: {  	v0 =	vadd.s32 $0x3C00, v0;
	_ =	sdelay $0x3  }
0xa7: {  	[tilespmem:s19+$0x13C00] =	vst v1  }
0xa8: {  	v0 =	vld.idx.msk [tilespmem:v0+s3+$0x0], $0xffff;
	_ =	sdelay $0x4  }
0xa9: {  	s31 =	simm.s32 $0x0;
	s17 =	simm.s32 $0x0;
	[tilespmem:s19+$0x14000] =	vst v0  }
0xaa: {  	[hbm4b:s5+s31] =	stream.linear.scatter [tilespmem:s12], [sflag:$0x2], $0x4000, $0x38;
	[tilespmem:$0x18400] =	vst v63  }
0xab: {  	v0 =	vld [tilespmem:s17+$0x10000];
	_ =	sdelay $0x4  }
0xac: {  	v1 =	vadd.s32 $0x4000, v0;
	_ =	sdelay $0x4  }
0xad: {  	v1 =	vld.idx.msk [tilespmem:v1+s3+$0x0], $0xffff  }
0xae: {  	v2 =	vadd.s32 $0x4400, v0;
	_ =	sdelay $0x3  }
0xaf: {  	[tilespmem:s17+$0x14400] =	vst v1  }
0xb0: {  	v1 =	vld.idx.msk [tilespmem:v2+s3+$0x0], $0xffff  }
0xb1: {  	v2 =	vadd.s32 $0x4800, v0;
	_ =	sdelay $0x3  }
0xb2: {  	[tilespmem:s17+$0x14800] =	vst v1  }
0xb3: {  	v1 =	vld.idx.msk [tilespmem:v2+s3+$0x0], $0xffff  }
0xb4: {  	v2 =	vadd.s32 $0x4C00, v0;
	_ =	sdelay $0x3  }
0xb5: {  	[tilespmem:s17+$0x14C00] =	vst v1  }
0xb6: {  	v1 =	vld.idx.msk [tilespmem:v2+s3+$0x0], $0xffff  }
0xb7: {  	v2 =	vadd.s32 $0x5000, v0;
	_ =	sdelay $0x3  }
0xb8: {  	[tilespmem:s17+$0x15000] =	vst v1  }
0xb9: {  	v1 =	vld.idx.msk [tilespmem:v2+s3+$0x0], $0xffff  }
0xba: {  	v2 =	vadd.s32 $0x5400, v0;
	_ =	sdelay $0x3  }
0xbb: {  	[tilespmem:s17+$0x15400] =	vst v1  }
0xbc: {  	v1 =	vld.idx.msk [tilespmem:v2+s3+$0x0], $0xffff  }
0xbd: {  	v2 =	vadd.s32 $0x5800, v0;
	_ =	sdelay $0x3  }
0xbe: {  	[tilespmem:s17+$0x15800] =	vst v1  }
0xbf: {  	v1 =	vld.idx.msk [tilespmem:v2+s3+$0x0], $0xffff  }
0xc0: {  	v2 =	vadd.s32 $0x5C00, v0;
	_ =	sdelay $0x3  }
0xc1: {  	[tilespmem:s17+$0x15C00] =	vst v1  }
0xc2: {  	v1 =	vld.idx.msk [tilespmem:v2+s3+$0x0], $0xffff  }
0xc3: {  	v2 =	vadd.s32 $0x6000, v0;
	_ =	sdelay $0x3  }
0xc4: {  	[tilespmem:s17+$0x16000] =	vst v1  }
0xc5: {  	v1 =	vld.idx.msk [tilespmem:v2+s3+$0x0], $0xffff  }
0xc6: {  	v2 =	vadd.s32 $0x6400, v0;
	_ =	sdelay $0x3  }
0xc7: {  	[tilespmem:s17+$0x16400] =	vst v1  }
0xc8: {  	v1 =	vld.idx.msk [tilespmem:v2+s3+$0x0], $0xffff  }
0xc9: {  	v2 =	vadd.s32 $0x6800, v0;
	_ =	sdelay $0x3  }
0xca: {  	[tilespmem:s17+$0x16800] =	vst v1  }
0xcb: {  	v1 =	vld.idx.msk [tilespmem:v2+s3+$0x0], $0xffff  }
0xcc: {  	v2 =	vadd.s32 $0x6C00, v0;
	_ =	sdelay $0x3  }
0xcd: {  	[tilespmem:s17+$0x16C00] =	vst v1  }
0xce: {  	v1 =	vld.idx.msk [tilespmem:v2+s3+$0x0], $0xffff  }
0xcf: {  	v2 =	vadd.s32 $0x7000, v0;
	_ =	sdelay $0x3  }
0xd0: {  	[tilespmem:s17+$0x17000] =	vst v1  }
0xd1: {  	v1 =	vld.idx.msk [tilespmem:v2+s3+$0x0], $0xffff  }
0xd2: {  	v2 =	vadd.s32 $0x7400, v0;
	_ =	sdelay $0x3  }
0xd3: {  	[tilespmem:s17+$0x17400] =	vst v1  }
0xd4: {  	v1 =	vld.idx.msk [tilespmem:v2+s3+$0x0], $0xffff  }
0xd5: {  	v2 =	vadd.s32 $0x7800, v0;
	_ =	sdelay $0x3  }
0xd6: {  	[tilespmem:s17+$0x17800] =	vst v1  }
0xd7: {  	v1 =	vld.idx.msk [tilespmem:v2+s3+$0x0], $0xffff  }
0xd8: {  	v2 =	vadd.s32 $0x7C00, v0  }
0xd9: {  	s18 =	simm.s32 $0x80;
	s19 =	simm.s32 $0x10  }
.LBB2_4:
0xda: {  	p0 =	sne.s32 s18, $0xFC0;
	v0 =	vld [tilespmem:s19+$0x10000];
	_ =	sdelay $0x1  }
0xdb: {  	[tilespmem:s17+$0x17C00] =	vst v1  }
0xdc: {  	v1 =	vld.idx.msk [tilespmem:v2+s3+$0x0], $0xffff;
	_ =	sdelay $0x1  }
0xdd: {  	v2 =	vadd.s32 $0x4000, v0;
	_ =	sdelay $0x3  }
0xde: {  	[tilespmem:s17+$0x18000] =	vst v1;
	s17 =	smov.u32 s19  }
0xdf: {  	v1 =	vld.idx.msk [tilespmem:v2+s3+$0x0], $0xffff;
	_ =	sdelay $0x1  }
0xe0: {  	v2 =	vadd.s32 $0x4400, v0;
	_ =	sdelay $0x3  }
0xe1: {  	[tilespmem:s17+$0x14400] =	vst v1  }
0xe2: {  	v1 =	vld.idx.msk [tilespmem:v2+s3+$0x0], $0xffff;
	_ =	sdelay $0x1  }
0xe3: {  	v2 =	vadd.s32 $0x4800, v0;
	_ =	sdelay $0x3  }
0xe4: {  	[tilespmem:s17+$0x14800] =	vst v1  }
0xe5: {  	v1 =	vld.idx.msk [tilespmem:v2+s3+$0x0], $0xffff;
	_ =	sdelay $0x1  }
0xe6: {  	v2 =	vadd.s32 $0x4C00, v0;
	_ =	sdelay $0x3  }
0xe7: {  	[tilespmem:s17+$0x14C00] =	vst v1  }
0xe8: {  	v1 =	vld.idx.msk [tilespmem:v2+s3+$0x0], $0xffff;
	_ =	sdelay $0x1  }
0xe9: {  	v2 =	vadd.s32 $0x5000, v0;
	_ =	sdelay $0x3  }
0xea: {  	[tilespmem:s17+$0x15000] =	vst v1  }
0xeb: {  	v1 =	vld.idx.msk [tilespmem:v2+s3+$0x0], $0xffff;
	_ =	sdelay $0x1  }
0xec: {  	v2 =	vadd.s32 $0x5400, v0;
	_ =	sdelay $0x3  }
0xed: {  	[tilespmem:s17+$0x15400] =	vst v1  }
0xee: {  	v1 =	vld.idx.msk [tilespmem:v2+s3+$0x0], $0xffff;
	_ =	sdelay $0x1  }
0xef: {  	v2 =	vadd.s32 $0x5800, v0;
	_ =	sdelay $0x3  }
0xf0: {  	[tilespmem:s17+$0x15800] =	vst v1  }
0xf1: {  	v1 =	vld.idx.msk [tilespmem:v2+s3+$0x0], $0xffff;
	_ =	sdelay $0x1  }
0xf2: {  	v2 =	vadd.s32 $0x5C00, v0;
	_ =	sdelay $0x3  }
0xf3: {  	[tilespmem:s17+$0x15C00] =	vst v1  }
0xf4: {  	v1 =	vld.idx.msk [tilespmem:v2+s3+$0x0], $0xffff;
	_ =	sdelay $0x1  }
0xf5: {  	v2 =	vadd.s32 $0x6000, v0;
	_ =	sdelay $0x3  }
0xf6: {  	[tilespmem:s17+$0x16000] =	vst v1  }
0xf7: {  	v1 =	vld.idx.msk [tilespmem:v2+s3+$0x0], $0xffff;
	_ =	sdelay $0x1  }
0xf8: {  	v2 =	vadd.s32 $0x6400, v0;
	_ =	sdelay $0x3  }
0xf9: {  	[tilespmem:s17+$0x16400] =	vst v1  }
0xfa: {  	v1 =	vld.idx.msk [tilespmem:v2+s3+$0x0], $0xffff;
	_ =	sdelay $0x1  }
0xfb: {  	v2 =	vadd.s32 $0x6800, v0;
	_ =	sdelay $0x3  }
0xfc: {  	[tilespmem:s17+$0x16800] =	vst v1  }
0xfd: {  	v1 =	vld.idx.msk [tilespmem:v2+s3+$0x0], $0xffff;
	_ =	sdelay $0x1  }
0xfe: {  	v2 =	vadd.s32 $0x6C00, v0;
	_ =	sdelay $0x3  }
0xff: {  	[tilespmem:s17+$0x16C00] =	vst v1  }
0x100: {  	v1 =	vld.idx.msk [tilespmem:v2+s3+$0x0], $0xffff;
	_ =	sdelay $0x1  }
0x101: {  	v2 =	vadd.s32 $0x7000, v0;
	_ =	sdelay $0x3  }
0x102: {  	[tilespmem:s17+$0x17000] =	vst v1  }
0x103: {  	v1 =	vld.idx.msk [tilespmem:v2+s3+$0x0], $0xffff;
	_ =	sdelay $0x1  }
0x104: {  	v2 =	vadd.s32 $0x7400, v0;
	_ =	sdelay $0x3  }
0x105: {  	[tilespmem:s17+$0x17400] =	vst v1  }
0x106: {  	v1 =	vld.idx.msk [tilespmem:v2+s3+$0x0], $0xffff;
	_ =	sdelay $0x1  }
0x107: {  	v2 =	vadd.s32 $0x7800, v0;
	_ =	sdelay $0x3  }
.Ltmp1:
0x108: {  	[tilespmem:s17+$0x17800] =	vst v1;
	(pc) =	sbr.rel @p0 .LBB2_4-.Ltmp1, $3  }
0x109: {  	v1 =	vld.idx.msk [tilespmem:v2+s3+$0x0], $0xffff;
	_ =	sdelay $0x1  }
0x10a: {  	v2 =	vadd.s32 $0x7C00, v0  }
0x10b: {  	s19 =	sshra.s32 s18, $0x2;
	s18 =	sadd.s32 $0x40, s18  }
0x10c: {  	v0 =	vld [tilespmem:s19+$0x10000];
	_ =	sdelay $0x2  }
0x10d: {  	[tilespmem:s17+$0x17C00] =	vst v1  }
0x10e: {  	v1 =	vld.idx.msk [tilespmem:v2+s3+$0x0], $0xffff  }
0x10f: {  	v2 =	vadd.s32 $0x4000, v0;
	_ =	sdelay $0x3  }
0x110: {  	[tilespmem:s17+$0x18000] =	vst v1  }
0x111: {  	v1 =	vld.idx.msk [tilespmem:v2+s3+$0x0], $0xffff  }
0x112: {  	v2 =	vadd.s32 $0x4400, v0;
	_ =	sdelay $0x3  }
0x113: {  	[tilespmem:s19+$0x14400] =	vst v1  }
0x114: {  	v1 =	vld.idx.msk [tilespmem:v2+s3+$0x0], $0xffff  }
0x115: {  	v2 =	vadd.s32 $0x4800, v0;
	_ =	sdelay $0x3  }
0x116: {  	[tilespmem:s19+$0x14800] =	vst v1  }
0x117: {  	v1 =	vld.idx.msk [tilespmem:v2+s3+$0x0], $0xffff  }
0x118: {  	v2 =	vadd.s32 $0x4C00, v0;
	_ =	sdelay $0x3  }
0x119: {  	[tilespmem:s19+$0x14C00] =	vst v1  }
0x11a: {  	v1 =	vld.idx.msk [tilespmem:v2+s3+$0x0], $0xffff  }
0x11b: {  	v2 =	vadd.s32 $0x5000, v0;
	_ =	sdelay $0x3  }
0x11c: {  	[tilespmem:s19+$0x15000] =	vst v1  }
0x11d: {  	v1 =	vld.idx.msk [tilespmem:v2+s3+$0x0], $0xffff  }
0x11e: {  	v2 =	vadd.s32 $0x5400, v0;
	_ =	sdelay $0x3  }
0x11f: {  	[tilespmem:s19+$0x15400] =	vst v1  }
0x120: {  	v1 =	vld.idx.msk [tilespmem:v2+s3+$0x0], $0xffff  }
0x121: {  	v2 =	vadd.s32 $0x5800, v0;
	_ =	sdelay $0x3  }
0x122: {  	[tilespmem:s19+$0x15800] =	vst v1  }
0x123: {  	v1 =	vld.idx.msk [tilespmem:v2+s3+$0x0], $0xffff  }
0x124: {  	v2 =	vadd.s32 $0x5C00, v0;
	_ =	sdelay $0x3  }
0x125: {  	[tilespmem:s19+$0x15C00] =	vst v1  }
0x126: {  	v1 =	vld.idx.msk [tilespmem:v2+s3+$0x0], $0xffff  }
0x127: {  	v2 =	vadd.s32 $0x6000, v0;
	_ =	sdelay $0x3  }
0x128: {  	[tilespmem:s19+$0x16000] =	vst v1  }
0x129: {  	v1 =	vld.idx.msk [tilespmem:v2+s3+$0x0], $0xffff  }
0x12a: {  	v2 =	vadd.s32 $0x6400, v0;
	_ =	sdelay $0x3  }
0x12b: {  	[tilespmem:s19+$0x16400] =	vst v1  }
0x12c: {  	v1 =	vld.idx.msk [tilespmem:v2+s3+$0x0], $0xffff  }
0x12d: {  	v2 =	vadd.s32 $0x6800, v0;
	_ =	sdelay $0x3  }
0x12e: {  	[tilespmem:s19+$0x16800] =	vst v1  }
0x12f: {  	v1 =	vld.idx.msk [tilespmem:v2+s3+$0x0], $0xffff  }
0x130: {  	v2 =	vadd.s32 $0x6C00, v0;
	_ =	sdelay $0x3  }
0x131: {  	[tilespmem:s19+$0x16C00] =	vst v1  }
0x132: {  	v1 =	vld.idx.msk [tilespmem:v2+s3+$0x0], $0xffff  }
0x133: {  	v2 =	vadd.s32 $0x7000, v0;
	_ =	sdelay $0x3  }
0x134: {  	[tilespmem:s19+$0x17000] =	vst v1  }
0x135: {  	v1 =	vld.idx.msk [tilespmem:v2+s3+$0x0], $0xffff  }
0x136: {  	v2 =	vadd.s32 $0x7400, v0;
	_ =	sdelay $0x3  }
0x137: {  	[tilespmem:s19+$0x17400] =	vst v1  }
0x138: {  	v1 =	vld.idx.msk [tilespmem:v2+s3+$0x0], $0xffff  }
0x139: {  	v2 =	vadd.s32 $0x7800, v0;
	_ =	sdelay $0x3  }
0x13a: {  	[tilespmem:s19+$0x17800] =	vst v1  }
0x13b: {  	v1 =	vld.idx.msk [tilespmem:v2+s3+$0x0], $0xffff  }
0x13c: {  	v0 =	vadd.s32 $0x7C00, v0;
	_ =	sdelay $0x3  }
0x13d: {  	[tilespmem:s19+$0x17C00] =	vst v1  }
0x13e: {  	v0 =	vld.idx.msk [tilespmem:v0+s3+$0x0], $0xffff;
	_ =	sdelay $0x4  }
0x13f: {  	s31 =	simm.s32 $0x0;
	[tilespmem:s19+$0x18000] =	vst v0  }
0x140: {  	[hbm4b:s6+s31] =	stream.linear.scatter [tilespmem:s13], [sflag:$0x3], $0x4000, $0x38;
	[tilespmem:$0x18400] =	vst v63  }
0x141: {  	_ =	swait.ge [sflag:s14], $0x4000  }
0x142: {  	[sflag:s14] =	ssyncset.done $0x0  }
0x143: {  	s17 =	simm.s32 $0x0;
	[sflag:s14] =	ssyncadd.s32 $0xFFFFC000  }
0x144: {  	v0 =	vld [tilespmem:s17+$0x10000];
	_ =	sdelay $0x4  }
0x145: {  	v1 =	vadd.s32 $0x8000, v0;
	_ =	sdelay $0x4  }
0x146: {  	v1 =	vld.idx.msk [tilespmem:v1+s3+$0x0], $0xffff  }
0x147: {  	v2 =	vadd.s32 $0x8400, v0;
	_ =	sdelay $0x3  }
0x148: {  	[tilespmem:s17+$0x10400] =	vst v1  }
0x149: {  	v1 =	vld.idx.msk [tilespmem:v2+s3+$0x0], $0xffff  }
0x14a: {  	v2 =	vadd.s32 $0x8800, v0;
	_ =	sdelay $0x3  }
0x14b: {  	[tilespmem:s17+$0x10800] =	vst v1  }
0x14c: {  	v1 =	vld.idx.msk [tilespmem:v2+s3+$0x0], $0xffff  }
0x14d: {  	v2 =	vadd.s32 $0x8C00, v0;
	_ =	sdelay $0x3  }
0x14e: {  	[tilespmem:s17+$0x10C00] =	vst v1  }
0x14f: {  	v1 =	vld.idx.msk [tilespmem:v2+s3+$0x0], $0xffff  }
0x150: {  	v2 =	vadd.s32 $0x9000, v0;
	_ =	sdelay $0x3  }
0x151: {  	[tilespmem:s17+$0x11000] =	vst v1  }
0x152: {  	v1 =	vld.idx.msk [tilespmem:v2+s3+$0x0], $0xffff  }
0x153: {  	v2 =	vadd.s32 $0x9400, v0;
	_ =	sdelay $0x3  }
0x154: {  	[tilespmem:s17+$0x11400] =	vst v1  }
0x155: {  	v1 =	vld.idx.msk [tilespmem:v2+s3+$0x0], $0xffff  }
0x156: {  	v2 =	vadd.s32 $0x9800, v0;
	_ =	sdelay $0x3  }
0x157: {  	[tilespmem:s17+$0x11800] =	vst v1  }
0x158: {  	v1 =	vld.idx.msk [tilespmem:v2+s3+$0x0], $0xffff  }
0x159: {  	v2 =	vadd.s32 $0x9C00, v0;
	_ =	sdelay $0x3  }
0x15a: {  	[tilespmem:s17+$0x11C00] =	vst v1  }
0x15b: {  	v1 =	vld.idx.msk [tilespmem:v2+s3+$0x0], $0xffff  }
0x15c: {  	v2 =	vadd.s32 $0xA000, v0;
	_ =	sdelay $0x3  }
0x15d: {  	[tilespmem:s17+$0x12000] =	vst v1  }
0x15e: {  	v1 =	vld.idx.msk [tilespmem:v2+s3+$0x0], $0xffff  }
0x15f: {  	v2 =	vadd.s32 $0xA400, v0;
	_ =	sdelay $0x3  }
0x160: {  	[tilespmem:s17+$0x12400] =	vst v1  }
0x161: {  	v1 =	vld.idx.msk [tilespmem:v2+s3+$0x0], $0xffff  }
0x162: {  	v2 =	vadd.s32 $0xA800, v0;
	_ =	sdelay $0x3  }
0x163: {  	[tilespmem:s17+$0x12800] =	vst v1  }
0x164: {  	v1 =	vld.idx.msk [tilespmem:v2+s3+$0x0], $0xffff  }
0x165: {  	v2 =	vadd.s32 $0xAC00, v0;
	_ =	sdelay $0x3  }
0x166: {  	[tilespmem:s17+$0x12C00] =	vst v1  }
0x167: {  	v1 =	vld.idx.msk [tilespmem:v2+s3+$0x0], $0xffff  }
0x168: {  	v2 =	vadd.s32 $0xB000, v0;
	_ =	sdelay $0x3  }
0x169: {  	[tilespmem:s17+$0x13000] =	vst v1  }
0x16a: {  	v1 =	vld.idx.msk [tilespmem:v2+s3+$0x0], $0xffff  }
0x16b: {  	v2 =	vadd.s32 $0xB400, v0;
	_ =	sdelay $0x3  }
0x16c: {  	[tilespmem:s17+$0x13400] =	vst v1  }
0x16d: {  	v1 =	vld.idx.msk [tilespmem:v2+s3+$0x0], $0xffff  }
0x16e: {  	v2 =	vadd.s32 $0xB800, v0;
	_ =	sdelay $0x3  }
0x16f: {  	[tilespmem:s17+$0x13800] =	vst v1  }
0x170: {  	v1 =	vld.idx.msk [tilespmem:v2+s3+$0x0], $0xffff  }
0x171: {  	v2 =	vadd.s32 $0xBC00, v0  }
0x172: {  	s18 =	simm.s32 $0x80;
	s19 =	simm.s32 $0x10  }
.LBB2_6:
0x173: {  	p0 =	sne.s32 s18, $0xFC0;
	v0 =	vld [tilespmem:s19+$0x10000];
	_ =	sdelay $0x1  }
0x174: {  	[tilespmem:s17+$0x13C00] =	vst v1  }
0x175: {  	v1 =	vld.idx.msk [tilespmem:v2+s3+$0x0], $0xffff;
	_ =	sdelay $0x1  }
0x176: {  	v2 =	vadd.s32 $0x8000, v0;
	_ =	sdelay $0x3  }
0x177: {  	[tilespmem:s17+$0x14000] =	vst v1;
	s17 =	smov.u32 s19  }
0x178: {  	v1 =	vld.idx.msk [tilespmem:v2+s3+$0x0], $0xffff;
	_ =	sdelay $0x1  }
0x179: {  	v2 =	vadd.s32 $0x8400, v0;
	_ =	sdelay $0x3  }
0x17a: {  	[tilespmem:s17+$0x10400] =	vst v1  }
0x17b: {  	v1 =	vld.idx.msk [tilespmem:v2+s3+$0x0], $0xffff;
	_ =	sdelay $0x1  }
0x17c: {  	v2 =	vadd.s32 $0x8800, v0;
	_ =	sdelay $0x3  }
0x17d: {  	[tilespmem:s17+$0x10800] =	vst v1  }
0x17e: {  	v1 =	vld.idx.msk [tilespmem:v2+s3+$0x0], $0xffff;
	_ =	sdelay $0x1  }
0x17f: {  	v2 =	vadd.s32 $0x8C00, v0;
	_ =	sdelay $0x3  }
0x180: {  	[tilespmem:s17+$0x10C00] =	vst v1  }
0x181: {  	v1 =	vld.idx.msk [tilespmem:v2+s3+$0x0], $0xffff;
	_ =	sdelay $0x1  }
0x182: {  	v2 =	vadd.s32 $0x9000, v0;
	_ =	sdelay $0x3  }
0x183: {  	[tilespmem:s17+$0x11000] =	vst v1  }
0x184: {  	v1 =	vld.idx.msk [tilespmem:v2+s3+$0x0], $0xffff;
	_ =	sdelay $0x1  }
0x185: {  	v2 =	vadd.s32 $0x9400, v0;
	_ =	sdelay $0x3  }
0x186: {  	[tilespmem:s17+$0x11400] =	vst v1  }
0x187: {  	v1 =	vld.idx.msk [tilespmem:v2+s3+$0x0], $0xffff;
	_ =	sdelay $0x1  }
0x188: {  	v2 =	vadd.s32 $0x9800, v0;
	_ =	sdelay $0x3  }
0x189: {  	[tilespmem:s17+$0x11800] =	vst v1  }
0x18a: {  	v1 =	vld.idx.msk [tilespmem:v2+s3+$0x0], $0xffff;
	_ =	sdelay $0x1  }
0x18b: {  	v2 =	vadd.s32 $0x9C00, v0;
	_ =	sdelay $0x3  }
0x18c: {  	[tilespmem:s17+$0x11C00] =	vst v1  }
0x18d: {  	v1 =	vld.idx.msk [tilespmem:v2+s3+$0x0], $0xffff;
	_ =	sdelay $0x1  }
0x18e: {  	v2 =	vadd.s32 $0xA000, v0;
	_ =	sdelay $0x3  }
0x18f: {  	[tilespmem:s17+$0x12000] =	vst v1  }
0x190: {  	v1 =	vld.idx.msk [tilespmem:v2+s3+$0x0], $0xffff;
	_ =	sdelay $0x1  }
0x191: {  	v2 =	vadd.s32 $0xA400, v0;
	_ =	sdelay $0x3  }
0x192: {  	[tilespmem:s17+$0x12400] =	vst v1  }
0x193: {  	v1 =	vld.idx.msk [tilespmem:v2+s3+$0x0], $0xffff;
	_ =	sdelay $0x1  }
0x194: {  	v2 =	vadd.s32 $0xA800, v0;
	_ =	sdelay $0x3  }
0x195: {  	[tilespmem:s17+$0x12800] =	vst v1  }
0x196: {  	v1 =	vld.idx.msk [tilespmem:v2+s3+$0x0], $0xffff;
	_ =	sdelay $0x1  }
0x197: {  	v2 =	vadd.s32 $0xAC00, v0;
	_ =	sdelay $0x3  }
0x198: {  	[tilespmem:s17+$0x12C00] =	vst v1  }
0x199: {  	v1 =	vld.idx.msk [tilespmem:v2+s3+$0x0], $0xffff;
	_ =	sdelay $0x1  }
0x19a: {  	v2 =	vadd.s32 $0xB000, v0;
	_ =	sdelay $0x3  }
0x19b: {  	[tilespmem:s17+$0x13000] =	vst v1  }
0x19c: {  	v1 =	vld.idx.msk [tilespmem:v2+s3+$0x0], $0xffff;
	_ =	sdelay $0x1  }
0x19d: {  	v2 =	vadd.s32 $0xB400, v0;
	_ =	sdelay $0x3  }
0x19e: {  	[tilespmem:s17+$0x13400] =	vst v1  }
0x19f: {  	v1 =	vld.idx.msk [tilespmem:v2+s3+$0x0], $0xffff;
	_ =	sdelay $0x1  }
0x1a0: {  	v2 =	vadd.s32 $0xB800, v0;
	_ =	sdelay $0x3  }
.Ltmp2:
0x1a1: {  	[tilespmem:s17+$0x13800] =	vst v1;
	(pc) =	sbr.rel @p0 .LBB2_6-.Ltmp2, $3  }
0x1a2: {  	v1 =	vld.idx.msk [tilespmem:v2+s3+$0x0], $0xffff;
	_ =	sdelay $0x1  }
0x1a3: {  	v2 =	vadd.s32 $0xBC00, v0  }
0x1a4: {  	s19 =	sshra.s32 s18, $0x2;
	s18 =	sadd.s32 $0x40, s18  }
0x1a5: {  	v0 =	vld [tilespmem:s19+$0x10000];
	_ =	sdelay $0x2  }
0x1a6: {  	[tilespmem:s17+$0x13C00] =	vst v1  }
0x1a7: {  	v1 =	vld.idx.msk [tilespmem:v2+s3+$0x0], $0xffff  }
0x1a8: {  	v2 =	vadd.s32 $0x8000, v0;
	_ =	sdelay $0x3  }
0x1a9: {  	[tilespmem:s17+$0x14000] =	vst v1  }
0x1aa: {  	v1 =	vld.idx.msk [tilespmem:v2+s3+$0x0], $0xffff  }
0x1ab: {  	v2 =	vadd.s32 $0x8400, v0;
	_ =	sdelay $0x3  }
0x1ac: {  	[tilespmem:s19+$0x10400] =	vst v1  }
0x1ad: {  	v1 =	vld.idx.msk [tilespmem:v2+s3+$0x0], $0xffff  }
0x1ae: {  	v2 =	vadd.s32 $0x8800, v0;
	_ =	sdelay $0x3  }
0x1af: {  	[tilespmem:s19+$0x10800] =	vst v1  }
0x1b0: {  	v1 =	vld.idx.msk [tilespmem:v2+s3+$0x0], $0xffff  }
0x1b1: {  	v2 =	vadd.s32 $0x8C00, v0;
	_ =	sdelay $0x3  }
0x1b2: {  	[tilespmem:s19+$0x10C00] =	vst v1  }
0x1b3: {  	v1 =	vld.idx.msk [tilespmem:v2+s3+$0x0], $0xffff  }
0x1b4: {  	v2 =	vadd.s32 $0x9000, v0;
	_ =	sdelay $0x3  }
0x1b5: {  	[tilespmem:s19+$0x11000] =	vst v1  }
0x1b6: {  	v1 =	vld.idx.msk [tilespmem:v2+s3+$0x0], $0xffff  }
0x1b7: {  	v2 =	vadd.s32 $0x9400, v0;
	_ =	sdelay $0x3  }
0x1b8: {  	[tilespmem:s19+$0x11400] =	vst v1  }
0x1b9: {  	v1 =	vld.idx.msk [tilespmem:v2+s3+$0x0], $0xffff  }
0x1ba: {  	v2 =	vadd.s32 $0x9800, v0;
	_ =	sdelay $0x3  }
0x1bb: {  	[tilespmem:s19+$0x11800] =	vst v1  }
0x1bc: {  	v1 =	vld.idx.msk [tilespmem:v2+s3+$0x0], $0xffff  }
0x1bd: {  	v2 =	vadd.s32 $0x9C00, v0;
	_ =	sdelay $0x3  }
0x1be: {  	[tilespmem:s19+$0x11C00] =	vst v1  }
0x1bf: {  	v1 =	vld.idx.msk [tilespmem:v2+s3+$0x0], $0xffff  }
0x1c0: {  	v2 =	vadd.s32 $0xA000, v0;
	_ =	sdelay $0x3  }
0x1c1: {  	[tilespmem:s19+$0x12000] =	vst v1  }
0x1c2: {  	v1 =	vld.idx.msk [tilespmem:v2+s3+$0x0], $0xffff  }
0x1c3: {  	v2 =	vadd.s32 $0xA400, v0;
	_ =	sdelay $0x3  }
0x1c4: {  	[tilespmem:s19+$0x12400] =	vst v1  }
0x1c5: {  	v1 =	vld.idx.msk [tilespmem:v2+s3+$0x0], $0xffff  }
0x1c6: {  	v2 =	vadd.s32 $0xA800, v0;
	_ =	sdelay $0x3  }
0x1c7: {  	[tilespmem:s19+$0x12800] =	vst v1  }
0x1c8: {  	v1 =	vld.idx.msk [tilespmem:v2+s3+$0x0], $0xffff  }
0x1c9: {  	v2 =	vadd.s32 $0xAC00, v0;
	_ =	sdelay $0x3  }
0x1ca: {  	[tilespmem:s19+$0x12C00] =	vst v1  }
0x1cb: {  	v1 =	vld.idx.msk [tilespmem:v2+s3+$0x0], $0xffff  }
0x1cc: {  	v2 =	vadd.s32 $0xB000, v0;
	_ =	sdelay $0x3  }
0x1cd: {  	[tilespmem:s19+$0x13000] =	vst v1  }
0x1ce: {  	v1 =	vld.idx.msk [tilespmem:v2+s3+$0x0], $0xffff  }
0x1cf: {  	v2 =	vadd.s32 $0xB400, v0;
	_ =	sdelay $0x3  }
0x1d0: {  	[tilespmem:s19+$0x13400] =	vst v1  }
0x1d1: {  	v1 =	vld.idx.msk [tilespmem:v2+s3+$0x0], $0xffff  }
0x1d2: {  	v2 =	vadd.s32 $0xB800, v0;
	_ =	sdelay $0x3  }
0x1d3: {  	[tilespmem:s19+$0x13800] =	vst v1  }
0x1d4: {  	v1 =	vld.idx.msk [tilespmem:v2+s3+$0x0], $0xffff  }
0x1d5: {  	v0 =	vadd.s32 $0xBC00, v0;
	_ =	sdelay $0x3  }
0x1d6: {  	[tilespmem:s19+$0x13C00] =	vst v1  }
0x1d7: {  	v0 =	vld.idx.msk [tilespmem:v0+s3+$0x0], $0xffff;
	_ =	sdelay $0x4  }
0x1d8: {  	s31 =	simm.s32 $0x0;
	[tilespmem:s19+$0x14000] =	vst v0  }
0x1d9: {  	[hbm4b:s7+s31] =	stream.linear.scatter [tilespmem:s12], [sflag:$0x2], $0x4000, $0x38;
	[tilespmem:$0x18400] =	vst v63  }
0x1da: {  	_ =	swait.ge [sflag:s15], $0x4000  }
0x1db: {  	[sflag:s15] =	ssyncset.done $0x0  }
0x1dc: {  	s17 =	simm.s32 $0x0;
	[sflag:s15] =	ssyncadd.s32 $0xFFFFC000  }
0x1dd: {  	v0 =	vld [tilespmem:s17+$0x10000];
	_ =	sdelay $0x4  }
0x1de: {  	v1 =	vadd.s32 $0xC000, v0;
	_ =	sdelay $0x4  }
0x1df: {  	v1 =	vld.idx.msk [tilespmem:v1+s3+$0x0], $0xffff  }
0x1e0: {  	v2 =	vadd.s32 $0xC400, v0;
	_ =	sdelay $0x3  }
0x1e1: {  	[tilespmem:s17+$0x14400] =	vst v1  }
0x1e2: {  	v1 =	vld.idx.msk [tilespmem:v2+s3+$0x0], $0xffff  }
0x1e3: {  	v2 =	vadd.s32 $0xC800, v0;
	_ =	sdelay $0x3  }
0x1e4: {  	[tilespmem:s17+$0x14800] =	vst v1  }
0x1e5: {  	v1 =	vld.idx.msk [tilespmem:v2+s3+$0x0], $0xffff  }
0x1e6: {  	v2 =	vadd.s32 $0xCC00, v0;
	_ =	sdelay $0x3  }
0x1e7: {  	[tilespmem:s17+$0x14C00] =	vst v1  }
0x1e8: {  	v1 =	vld.idx.msk [tilespmem:v2+s3+$0x0], $0xffff  }
0x1e9: {  	v2 =	vadd.s32 $0xD000, v0;
	_ =	sdelay $0x3  }
0x1ea: {  	[tilespmem:s17+$0x15000] =	vst v1  }
0x1eb: {  	v1 =	vld.idx.msk [tilespmem:v2+s3+$0x0], $0xffff  }
0x1ec: {  	v2 =	vadd.s32 $0xD400, v0;
	_ =	sdelay $0x3  }
0x1ed: {  	[tilespmem:s17+$0x15400] =	vst v1  }
0x1ee: {  	v1 =	vld.idx.msk [tilespmem:v2+s3+$0x0], $0xffff  }
0x1ef: {  	v2 =	vadd.s32 $0xD800, v0;
	_ =	sdelay $0x3  }
0x1f0: {  	[tilespmem:s17+$0x15800] =	vst v1  }
0x1f1: {  	v1 =	vld.idx.msk [tilespmem:v2+s3+$0x0], $0xffff  }
0x1f2: {  	v2 =	vadd.s32 $0xDC00, v0;
	_ =	sdelay $0x3  }
0x1f3: {  	[tilespmem:s17+$0x15C00] =	vst v1  }
0x1f4: {  	v1 =	vld.idx.msk [tilespmem:v2+s3+$0x0], $0xffff  }
0x1f5: {  	v2 =	vadd.s32 $0xE000, v0;
	_ =	sdelay $0x3  }
0x1f6: {  	[tilespmem:s17+$0x16000] =	vst v1  }
0x1f7: {  	v1 =	vld.idx.msk [tilespmem:v2+s3+$0x0], $0xffff  }
0x1f8: {  	v2 =	vadd.s32 $0xE400, v0;
	_ =	sdelay $0x3  }
0x1f9: {  	[tilespmem:s17+$0x16400] =	vst v1  }
0x1fa: {  	v1 =	vld.idx.msk [tilespmem:v2+s3+$0x0], $0xffff  }
0x1fb: {  	v2 =	vadd.s32 $0xE800, v0;
	_ =	sdelay $0x3  }
0x1fc: {  	[tilespmem:s17+$0x16800] =	vst v1  }
0x1fd: {  	v1 =	vld.idx.msk [tilespmem:v2+s3+$0x0], $0xffff  }
0x1fe: {  	v2 =	vadd.s32 $0xEC00, v0;
	_ =	sdelay $0x3  }
0x1ff: {  	[tilespmem:s17+$0x16C00] =	vst v1  }
0x200: {  	v1 =	vld.idx.msk [tilespmem:v2+s3+$0x0], $0xffff  }
0x201: {  	v2 =	vadd.s32 $0xF000, v0;
	_ =	sdelay $0x3  }
0x202: {  	[tilespmem:s17+$0x17000] =	vst v1  }
0x203: {  	v1 =	vld.idx.msk [tilespmem:v2+s3+$0x0], $0xffff  }
0x204: {  	v2 =	vadd.s32 $0xF400, v0;
	_ =	sdelay $0x3  }
0x205: {  	[tilespmem:s17+$0x17400] =	vst v1  }
0x206: {  	v1 =	vld.idx.msk [tilespmem:v2+s3+$0x0], $0xffff  }
0x207: {  	v2 =	vadd.s32 $0xF800, v0;
	_ =	sdelay $0x3  }
0x208: {  	[tilespmem:s17+$0x17800] =	vst v1  }
0x209: {  	v1 =	vld.idx.msk [tilespmem:v2+s3+$0x0], $0xffff  }
0x20a: {  	v2 =	vadd.s32 $0xFC00, v0  }
0x20b: {  	s18 =	simm.s32 $0x80;
	s19 =	simm.s32 $0x10  }
.LBB2_8:
0x20c: {  	p0 =	sne.s32 s18, $0xFC0;
	v0 =	vld [tilespmem:s19+$0x10000];
	_ =	sdelay $0x1  }
0x20d: {  	[tilespmem:s17+$0x17C00] =	vst v1  }
0x20e: {  	v1 =	vld.idx.msk [tilespmem:v2+s3+$0x0], $0xffff;
	_ =	sdelay $0x1  }
0x20f: {  	v2 =	vadd.s32 $0xC000, v0;
	_ =	sdelay $0x3  }
0x210: {  	[tilespmem:s17+$0x18000] =	vst v1;
	s17 =	smov.u32 s19  }
0x211: {  	v1 =	vld.idx.msk [tilespmem:v2+s3+$0x0], $0xffff;
	_ =	sdelay $0x1  }
0x212: {  	v2 =	vadd.s32 $0xC400, v0;
	_ =	sdelay $0x3  }
0x213: {  	[tilespmem:s17+$0x14400] =	vst v1  }
0x214: {  	v1 =	vld.idx.msk [tilespmem:v2+s3+$0x0], $0xffff;
	_ =	sdelay $0x1  }
0x215: {  	v2 =	vadd.s32 $0xC800, v0;
	_ =	sdelay $0x3  }
0x216: {  	[tilespmem:s17+$0x14800] =	vst v1  }
0x217: {  	v1 =	vld.idx.msk [tilespmem:v2+s3+$0x0], $0xffff;
	_ =	sdelay $0x1  }
0x218: {  	v2 =	vadd.s32 $0xCC00, v0;
	_ =	sdelay $0x3  }
0x219: {  	[tilespmem:s17+$0x14C00] =	vst v1  }
0x21a: {  	v1 =	vld.idx.msk [tilespmem:v2+s3+$0x0], $0xffff;
	_ =	sdelay $0x1  }
0x21b: {  	v2 =	vadd.s32 $0xD000, v0;
	_ =	sdelay $0x3  }
0x21c: {  	[tilespmem:s17+$0x15000] =	vst v1  }
0x21d: {  	v1 =	vld.idx.msk [tilespmem:v2+s3+$0x0], $0xffff;
	_ =	sdelay $0x1  }
0x21e: {  	v2 =	vadd.s32 $0xD400, v0;
	_ =	sdelay $0x3  }
0x21f: {  	[tilespmem:s17+$0x15400] =	vst v1  }
0x220: {  	v1 =	vld.idx.msk [tilespmem:v2+s3+$0x0], $0xffff;
	_ =	sdelay $0x1  }
0x221: {  	v2 =	vadd.s32 $0xD800, v0;
	_ =	sdelay $0x3  }
0x222: {  	[tilespmem:s17+$0x15800] =	vst v1  }
0x223: {  	v1 =	vld.idx.msk [tilespmem:v2+s3+$0x0], $0xffff;
	_ =	sdelay $0x1  }
0x224: {  	v2 =	vadd.s32 $0xDC00, v0;
	_ =	sdelay $0x3  }
0x225: {  	[tilespmem:s17+$0x15C00] =	vst v1  }
0x226: {  	v1 =	vld.idx.msk [tilespmem:v2+s3+$0x0], $0xffff;
	_ =	sdelay $0x1  }
0x227: {  	v2 =	vadd.s32 $0xE000, v0;
	_ =	sdelay $0x3  }
0x228: {  	[tilespmem:s17+$0x16000] =	vst v1  }
0x229: {  	v1 =	vld.idx.msk [tilespmem:v2+s3+$0x0], $0xffff;
	_ =	sdelay $0x1  }
0x22a: {  	v2 =	vadd.s32 $0xE400, v0;
	_ =	sdelay $0x3  }
0x22b: {  	[tilespmem:s17+$0x16400] =	vst v1  }
0x22c: {  	v1 =	vld.idx.msk [tilespmem:v2+s3+$0x0], $0xffff;
	_ =	sdelay $0x1  }
0x22d: {  	v2 =	vadd.s32 $0xE800, v0;
	_ =	sdelay $0x3  }
0x22e: {  	[tilespmem:s17+$0x16800] =	vst v1  }
0x22f: {  	v1 =	vld.idx.msk [tilespmem:v2+s3+$0x0], $0xffff;
	_ =	sdelay $0x1  }
0x230: {  	v2 =	vadd.s32 $0xEC00, v0;
	_ =	sdelay $0x3  }
0x231: {  	[tilespmem:s17+$0x16C00] =	vst v1  }
0x232: {  	v1 =	vld.idx.msk [tilespmem:v2+s3+$0x0], $0xffff;
	_ =	sdelay $0x1  }
0x233: {  	v2 =	vadd.s32 $0xF000, v0;
	_ =	sdelay $0x3  }
0x234: {  	[tilespmem:s17+$0x17000] =	vst v1  }
0x235: {  	v1 =	vld.idx.msk [tilespmem:v2+s3+$0x0], $0xffff;
	_ =	sdelay $0x1  }
0x236: {  	v2 =	vadd.s32 $0xF400, v0;
	_ =	sdelay $0x3  }
0x237: {  	[tilespmem:s17+$0x17400] =	vst v1  }
0x238: {  	v1 =	vld.idx.msk [tilespmem:v2+s3+$0x0], $0xffff;
	_ =	sdelay $0x1  }
0x239: {  	v2 =	vadd.s32 $0xF800, v0;
	_ =	sdelay $0x3  }
.Ltmp3:
0x23a: {  	[tilespmem:s17+$0x17800] =	vst v1;
	(pc) =	sbr.rel @p0 .LBB2_8-.Ltmp3, $3  }
0x23b: {  	v1 =	vld.idx.msk [tilespmem:v2+s3+$0x0], $0xffff;
	_ =	sdelay $0x1  }
0x23c: {  	v2 =	vadd.s32 $0xFC00, v0  }
0x23d: {  	s19 =	sshra.s32 s18, $0x2;
	s18 =	sadd.s32 $0x40, s18  }
0x23e: {  	v0 =	vld [tilespmem:s19+$0x10000];
	_ =	sdelay $0x2  }
0x23f: {  	[tilespmem:s17+$0x17C00] =	vst v1  }
0x240: {  	v1 =	vld.idx.msk [tilespmem:v2+s3+$0x0], $0xffff  }
0x241: {  	v49 =	vadd.s32 $0xC000, v0;
	_ =	sdelay $0x3  }
0x242: {  	[tilespmem:s17+$0x18000] =	vst v1  }
0x243: {  	v1 =	vld.idx.msk [tilespmem:v49+s3+$0x0], $0xffff  }
0x244: {  	v50 =	vadd.s32 $0xC400, v0;
	_ =	sdelay $0x3  }
0x245: {  	[tilespmem:s19+$0x14400] =	vst v1  }
0x246: {  	v1 =	vld.idx.msk [tilespmem:v50+s3+$0x0], $0xffff  }
0x247: {  	v51 =	vadd.s32 $0xC800, v0;
	_ =	sdelay $0x3  }
0x248: {  	[tilespmem:s19+$0x14800] =	vst v1  }
0x249: {  	v1 =	vld.idx.msk [tilespmem:v51+s3+$0x0], $0xffff  }
0x24a: {  	v52 =	vadd.s32 $0xCC00, v0;
	_ =	sdelay $0x3  }
0x24b: {  	[tilespmem:s19+$0x14C00] =	vst v1  }
0x24c: {  	v1 =	vld.idx.msk [tilespmem:v52+s3+$0x0], $0xffff  }
0x24d: {  	v53 =	vadd.s32 $0xD000, v0;
	_ =	sdelay $0x3  }
0x24e: {  	[tilespmem:s19+$0x15000] =	vst v1  }
0x24f: {  	v1 =	vld.idx.msk [tilespmem:v53+s3+$0x0], $0xffff  }
0x250: {  	v54 =	vadd.s32 $0xD400, v0;
	_ =	sdelay $0x3  }
0x251: {  	[tilespmem:s19+$0x15400] =	vst v1  }
0x252: {  	v1 =	vld.idx.msk [tilespmem:v54+s3+$0x0], $0xffff  }
0x253: {  	v55 =	vadd.s32 $0xD800, v0;
	_ =	sdelay $0x3  }
0x254: {  	[tilespmem:s19+$0x15800] =	vst v1  }
0x255: {  	v1 =	vld.idx.msk [tilespmem:v55+s3+$0x0], $0xffff  }
0x256: {  	v56 =	vadd.s32 $0xDC00, v0;
	_ =	sdelay $0x3  }
0x257: {  	[tilespmem:s19+$0x15C00] =	vst v1  }
0x258: {  	v1 =	vld.idx.msk [tilespmem:v56+s3+$0x0], $0xffff  }
0x259: {  	v57 =	vadd.s32 $0xE000, v0;
	_ =	sdelay $0x3  }
0x25a: {  	[tilespmem:s19+$0x16000] =	vst v1  }
0x25b: {  	v1 =	vld.idx.msk [tilespmem:v57+s3+$0x0], $0xffff  }
0x25c: {  	v58 =	vadd.s32 $0xE400, v0;
	_ =	sdelay $0x3  }
0x25d: {  	[tilespmem:s19+$0x16400] =	vst v1  }
0x25e: {  	v1 =	vld.idx.msk [tilespmem:v58+s3+$0x0], $0xffff  }
0x25f: {  	v59 =	vadd.s32 $0xE800, v0;
	_ =	sdelay $0x3  }
0x260: {  	[tilespmem:s19+$0x16800] =	vst v1  }
0x261: {  	v1 =	vld.idx.msk [tilespmem:v59+s3+$0x0], $0xffff  }
0x262: {  	v60 =	vadd.s32 $0xEC00, v0;
	_ =	sdelay $0x3  }
0x263: {  	[tilespmem:s19+$0x16C00] =	vst v1  }
0x264: {  	v1 =	vld.idx.msk [tilespmem:v60+s3+$0x0], $0xffff  }
0x265: {  	v61 =	vadd.s32 $0xF000, v0;
	_ =	sdelay $0x3  }
0x266: {  	[tilespmem:s19+$0x17000] =	vst v1  }
0x267: {  	v1 =	vld.idx.msk [tilespmem:v61+s3+$0x0], $0xffff  }
0x268: {  	v62 =	vadd.s32 $0xF400, v0;
	_ =	sdelay $0x3  }
0x269: {  	[tilespmem:s19+$0x17400] =	vst v1  }
0x26a: {  	v1 =	vld.idx.msk [tilespmem:v62+s3+$0x0], $0xffff  }
0x26b: {  	v63 =	vadd.s32 $0xF800, v0;
	_ =	sdelay $0x3  }
0x26c: {  	[tilespmem:s19+$0x17800] =	vst v1  }
0x26d: {  	v1 =	vld.idx.msk [tilespmem:v63+s3+$0x0], $0xffff  }
0x26e: {  	v0 =	vadd.s32 $0xFC00, v0;
	_ =	sdelay $0x3  }
0x26f: {  	[tilespmem:s19+$0x17C00] =	vst v1  }
0x270: {  	v0 =	vld.idx.msk [tilespmem:v0+s3+$0x0], $0xffff;
	_ =	sdelay $0x4  }
0x271: {  	s16 =	sadd.s32 $0x1, s16;
	[tilespmem:s19+$0x18000] =	vst v0  }
0x272: {  	[hbm4b:s8+s3] =	stream.linear.scatter [tilespmem:s13], [sflag:$0x3], $0x4000, $0x38;
	[tilespmem:$0x18400] =	vst v63  }
0x273: {  	p0 =	sne.s32 s16, s9;
	_ =	swait.ge [sflag:s14], $0x4000  }
.Ltmp4:
0x274: {  	[sflag:s14] =	ssyncset.done $0x0;
	(pc) =	sbr.rel @p0 .LBB2_1-.Ltmp4, $4  }
0x275: {  	[sflag:s14] =	ssyncadd.s32 $0xFFFFC000  }
0x276: {  	_ =	swait.ge [sflag:s15], $0x4000  }
0x277: {  	[sflag:s15] =	ssyncset.done $0x0  }
0x278: {  	[sflag:s15] =	ssyncadd.s32 $0xFFFFC000  }
0x279: {  	_ =	sfence.sel $0x180000  }
0x27a: {  	[bflag:$0x0] =	sbarrier.arrive $0xFFFF  }
0x27b: {  	p0 =	sne.s32 s2, $0x0;
	_ =	strace $0x90000047  }
0x27c: {  	s0 =	sadd.s32 @!p0 $0x100000, s0;
	[bflag:$0x2] =	sbarrier.arrive $0xFFFF  }
0x27d: {  	[sflag:s0] =	ssyncadd.tile.s32 @!p0 $0x1;
	_ =	shalt  }
.Lfunc_end2:
_tile_overlayer_lowered:
.L_overlay_start_2:
0x27e: {  	(tag) =	ssettag $0x2  }
0x27f: {  	s0 =	rddreg [dreg:$0x0];
	s2 =	stileid.u32  }
0x280: {  	s1 =	rddreg [dreg:$0x1];
	p0 =	sne.s32 s2, $0x0  }
0x281: {  	s3 =	rddreg [dreg:$0x2];
	[bflag:$0x3] =	sbarrier.arrive $0xFFFF;
	s2 =	simm.s32 @!p0 $0x1C04  }
0x282: {  	[timem:s3], [sflag:s2] =	dma.local @!p0 [hbm:s0], s1  }
0x283: {  	s0 =	simm.s32 @!p0 $0x4  }
0x284: {  	_ =	swait.ge @!p0 [sflag:s0], s1  }
0x285: {  	s1 =	ssub.s32 @!p0 $0x0, s1;
	[sflag:s0] =	ssyncset.done @!p0 $0x0  }
0x286: {  	[sflag:s0] =	ssyncadd.s32 @!p0 s1  }
0x287: {  	[bflag:$0x3] =	sbarrier.arrive $0xFFFF  }
0x288: {  	_ =	shalt  }

</sc_bundles>
